<compile_context>
chip_gen: v7x
topology: tpu7x:2x2x1
jax: 0.10.2.dev20260603
libtpu: 0.0.44.dev20260713+nightly
codegen_flags: <defaults>
</compile_context>

<pallas_src>
import functools

import jax
import jax.numpy as jnp
from jax import lax
from jax.experimental import pallas as pl
from jax.experimental.pallas import tpu as pltpu
from jax.experimental.pallas import tpu_sc as plsc

NN = 268
EE = 8576
BB = 32
GS = 2 * BB
NP = 272
NF = 128
NH = 64
EPS = 1e-6

_NC = 2
_NS = 16
_NW = _NC * _NS
_SIDES_PER_W = GS // _NW
_LANES = 16
_WCELLS = NP * NP


_ZUNROLL = 8
_EUNROLL = 4


def _sc_body(ei1_hbm, ei2_hbm, ea1_hbm, ea2_hbm, out_hbm,
             row_v, col_v, ew_v, w_v):
  wid = lax.axis_index("s") * _NC + lax.axis_index("c")
  zeros16 = jnp.zeros((_LANES,), jnp.float32)
  for g, (ei_hbm, ea_hbm) in enumerate(((ei1_hbm, ea1_hbm),
                                        (ei2_hbm, ea2_hbm))):
    def zbody(i, carry):
      base = i * (_LANES * _ZUNROLL)
      for u in range(_ZUNROLL):
        w_v[pl.ds(base + u * _LANES, _LANES)] = zeros16
      return carry

    lax.fori_loop(0, _WCELLS // (_LANES * _ZUNROLL), zbody, 0)

    pltpu.sync_copy(ei_hbm.at[wid, 0], row_v)
    pltpu.sync_copy(ei_hbm.at[wid, 1], col_v)
    pltpu.sync_copy(ea_hbm.at[wid], ew_v)

    def ebody(i, carry):
      base = i * (_LANES * _EUNROLL)
      for u in range(_EUNROLL):
        off = base + u * _LANES
        r = row_v[pl.ds(off, _LANES)]
        c = col_v[pl.ds(off, _LANES)]
        w = ew_v[pl.ds(off, _LANES)]
        idx = c * NP + r
        plsc.addupdate_scatter(w_v, [idx], w)
      return carry

    lax.fori_loop(0, EE // (_LANES * _EUNROLL), ebody, 0)
    pltpu.sync_copy(w_v, out_hbm.at[wid, g])


@functools.cache
def _sc_build():
  return pl.kernel(
      _sc_body,
      out_type=jax.ShapeDtypeStruct((BB, 2, _WCELLS), jnp.float32),
      mesh=plsc.VectorSubcoreMesh(core_axis_name="c", subcore_axis_name="s"),
      scratch_types=[
          pltpu.VMEM((EE,), jnp.int32),
          pltpu.VMEM((EE,), jnp.int32),
          pltpu.VMEM((EE,), jnp.float32),
          pltpu.VMEM((_WCELLS,), jnp.float32),
      ],
      compiler_params=pltpu.CompilerParams(needs_layout_passes=False),
  )


def _tc_body(wd_ref, x1_ref, x2_ref, w1_ref, b1_ref, w4_ref, b4_ref,
             wc1_ref, bc1_ref, wc2_ref, bc2_ref, out_ref):
  dotf = functools.partial(
      lax.dot_general,
      dimension_numbers=(((1,), (0,)), ((), ())),
      precision=lax.Precision.DEFAULT,
      preferred_element_type=jnp.float32,
  )
  b1 = b1_ref[...]
  b4 = b4_ref[0]
  os = []
  for s, x_ref in enumerate((x1_ref, x2_ref)):
    wd = wd_ref[0, s]
    x = jnp.concatenate(
        [x_ref[0], jnp.zeros((NP - NN, NF), jnp.float32)], axis=0)
    deg = jnp.sum(wd, axis=0)
    dinv = jnp.where(deg > 0, lax.rsqrt(jnp.where(deg > 0, deg, 1.0)), 0.0)
    a = -(dinv[:, None] * wd * dinv[None, :])

    ah = a.astype(jnp.bfloat16)
    al = (a - ah.astype(jnp.float32)).astype(jnp.bfloat16)

    def dota(v):
      vh = v.astype(jnp.bfloat16)
      vl = (v - vh.astype(jnp.float32)).astype(jnp.bfloat16)
      n = v.shape[1]
      c = dotf(ah, jnp.concatenate([vh, vl], axis=1))
      return c[:, :n] + c[:, n:] + dotf(al, vh)

    tx1 = dota(x)
    tx2 = 2.0 * dota(tx1) - x
    h = dotf(x, w1_ref[0]) + dotf(tx1, w1_ref[1]) + dotf(tx2, w1_ref[2])
    h = jnp.maximum(h + b1[None, :], 0.0)

    th1 = dota(h)
    th2 = 2.0 * dota(th1) - h
    w4 = w4_ref[...]
    o = (dotf(h, w4[0]) + dotf(th1, w4[1]) + dotf(th2, w4[2]))[:, 0] + b4
    os.append(o)

  dist = jnp.abs(os[0] - os[1] + EPS)
  cls = dotf(dist[None, :], wc1_ref[...])[0]
  hc = jnp.maximum(cls + bc1_ref[...], 0.0)
  res = dotf(hc[None, :], wc2_ref[...])[0, 0] + bc2_ref[0]
  out_ref[0] = res[None, None]


def _tc_pairs(wd, x1, x2, W1, b1, W4, b4, Wc1p, bc1p, Wc2p, bc2):
  full = lambda shape: pl.BlockSpec(shape, lambda b: (0,) * len(shape))
  return pl.pallas_call(
      _tc_body,
      grid=(BB,),
      in_specs=[
          pl.BlockSpec((1, 2, NP, NP), lambda b: (b, 0, 0, 0)),
          pl.BlockSpec((1, NN, NF), lambda b: (b, 0, 0)),
          pl.BlockSpec((1, NN, NF), lambda b: (b, 0, 0)),
          full((3, NF, NH)),
          full((NH,)),
          full((3, NH, 1)),
          full((1,)),
          full((NP, NH)),
          full((NH,)),
          full((NH, 1)),
          full((1,)),
      ],
      out_specs=pl.BlockSpec((1, 1, 1), lambda b: (b, 0, 0)),
      out_shape=jax.ShapeDtypeStruct((BB, 1, 1), jnp.float32),
  )(wd, x1, x2, W1, b1, W4, b4, Wc1p, bc1p, Wc2p, bc2).reshape(BB, 1)


def kernel(x1, x2, edge_index1, edge_index2, edge_attr1, edge_attr2,
           W1, b1, W4, b4, Wc1, bc1, Wc2, bc2):
  wd = _sc_build()(edge_index1, edge_index2, edge_attr1,
                   edge_attr2).reshape(BB, 2, NP, NP)

  Wc1p = jnp.pad(Wc1, ((0, NP - NN), (0, NH - 60)))
  bc1p = jnp.pad(bc1, (0, NH - 60))
  Wc2p = jnp.pad(Wc2, ((0, NH - 60), (0, 0)))

  return _tc_pairs(wd, x1, x2, W1, b1, W4, b4, Wc1p, bc1p, Wc2p, bc2)

# --- scband reference (transcript-rebuilt; emitter-appended) ---
"""Pipeline reference for scband-siamese-geo-cheby-conv-read-54451595379150 (READ-ONLY COPY).

The authoritative reference and input builder live on the scoring server;
editing this copy changes nothing except your own understanding.
"""

import jax, jax.numpy as jnp
import numpy as np

N_NODES = 268
E_EDGES = 8576
B = 32
NFEAT = 128
NHID = 64
K = 3
EPS = 1e-6


def _cheb(x, row, col, ew, Ws, b):
    # PyG ChebConv, normalization='sym', lambda_max=2.0:
    # L_tilde = 2*L/lambda_max - I = (I - D^-1/2 A D^-1/2) - I = -D^-1/2 A D^-1/2
    deg = jnp.zeros((N_NODES,), x.dtype).at[row].add(ew)
    dinv = jnp.where(deg > 0, 1.0 / jnp.sqrt(jnp.where(deg > 0, deg, 1.0)), 0.0)
    norm = -(dinv[row] * ew * dinv[col])

    def L(v):
        # message passing: out[col] += norm * v[row]
        return jnp.zeros_like(v).at[col].add(norm[:, None] * v[row])

    Tx0 = x
    out = Tx0 @ Ws[0]
    Tx1 = L(Tx0)
    out = out + Tx1 @ Ws[1]
    Tx2 = 2.0 * L(Tx1) - Tx0
    out = out + Tx2 @ Ws[2]
    return out + b


def _single(x, ei, ew, W1, b1, W4, b4):
    row, col = ei[0], ei[1]
    h = _cheb(x, row, col, ew, W1, b1)
    h = jax.nn.relu(h)  # dropout is identity in eval mode; BatchNorm(16) in source is a no-op
    return _cheb(h, row, col, ew, W4, b4)


def setup_inputs(seed: int = 0):
    key = jax.random.key(seed)
    ks = jax.random.split(key, 12)
    x1 = jax.random.normal(ks[0], (B, N_NODES, NFEAT), jnp.float32)
    x2 = jax.random.normal(ks[1], (B, N_NODES, NFEAT), jnp.float32)
    edge_index1 = jax.random.randint(ks[2], (B, 2, E_EDGES), 0, N_NODES, jnp.int32)
    edge_index2 = jax.random.randint(ks[3], (B, 2, E_EDGES), 0, N_NODES, jnp.int32)
    edge_attr1 = jax.random.uniform(ks[4], (B, E_EDGES), jnp.float32)
    edge_attr2 = jax.random.uniform(ks[5], (B, E_EDGES), jnp.float32)
    W1 = jax.random.normal(ks[6], (K, NFEAT, NHID), jnp.float32) * 0.05
    b1 = jnp.zeros((NHID,), jnp.float32)
    W4 = jax.random.normal(ks[7], (K, NHID, 1), jnp.float32) * 0.05
    b4 = jnp.zeros((1,), jnp.float32)
    Wc1 = jax.random.normal(ks[8], (N_NODES, 60), jnp.float32) * 0.05
    bc1 = jnp.zeros((60,), jnp.float32)
    Wc2 = jax.random.normal(ks[9], (60, 1), jnp.float32) * 0.05
    bc2 = jnp.zeros((1,), jnp.float32)
    return {"x1": x1, "x2": x2, "edge_index1": edge_index1, "edge_index2": edge_index2,
            "edge_attr1": edge_attr1, "edge_attr2": edge_attr2,
            "W1": W1, "b1": b1, "W4": W4, "b4": b4,
            "Wc1": Wc1, "bc1": bc1, "Wc2": Wc2, "bc2": bc2}


def reference(x1, x2, edge_index1, edge_index2, edge_attr1, edge_attr2,
              W1, b1, W4, b4, Wc1, bc1, Wc2, bc2):
    def per_graph(x1g, x2g, ei1g, ei2g, ea1g, ea2g):
        o1 = _single(x1g, ei1g, ea1g, W1, b1, W4, b4).reshape(-1)  # [268]
        o2 = _single(x2g, ei2g, ea2g, W1, b1, W4, b4).reshape(-1)
        # PairwiseDistance(p=1) on [268,1] tensors -> elementwise |a - b + eps|
        dist = jnp.abs(o1 - o2 + EPS)
        h = jax.nn.relu(dist @ Wc1 + bc1)  # classifier Dropout is identity in eval
        return h @ Wc2 + bc2  # [1]
    return jax.vmap(per_graph)(x1, x2, edge_index1, edge_index2, edge_attr1, edge_attr2)  # [B, 1]

if __name__ == "__main__":
    import jax
    _d = setup_inputs()
    print(jax.jit(kernel)(*tuple(_d.values())))

</pallas_src>

<mosaic_0001>
#map = affine_map<(d0, d1) -> (0, 0, 0)>
#map1 = affine_map<(d0, d1) -> (0, 0)>
module attributes {stable_mosaic.version = 14 : i64} {
  func.func @_sc_body(%arg0: i32, %arg1: i32, %arg2: memref<32x2x8576xi32, #tpu.memory_space<hbm>>, %arg3: memref<32x2x8576xi32, #tpu.memory_space<hbm>>, %arg4: memref<32x8576xf32, #tpu.memory_space<hbm>>, %arg5: memref<32x8576xf32, #tpu.memory_space<hbm>>, %arg6: memref<32x2x73984xf32, #tpu.memory_space<hbm>>, %arg7: memref<8576xi32, #tpu.memory_space<vmem>>, %arg8: memref<8576xi32, #tpu.memory_space<vmem>>, %arg9: memref<8576xf32, #tpu.memory_space<vmem>>, %arg10: memref<73984xf32, #tpu.memory_space<vmem>>) attributes {dimension_semantics = [#tpu.dimension_semantics<core_parallel>, #tpu.dimension_semantics<subcore_parallel>], iteration_bounds = array<i64: 2, 16>, scalar_prefetch = 0 : i64, scratch_operands = 4 : i64, tpu.core_type = #tpu.core_type<sc_vector_subcore>, window_params = [{transform_indices = #map}, {transform_indices = #map}, {transform_indices = #map1}, {transform_indices = #map1}, {transform_indices = #map}]} {
    %mul3A = arith.constant 2 : i32
    %mul3A_0 = arith.muli %arg1, %mul3A : i32
    %add3A = arith.addi %mul3A_0, %arg0 : i32
    %broadcast_in_dim3A = arith.constant 0.000000e+00 : f32
    %broadcast_in_dim3A_1 = vector.broadcast %broadcast_in_dim3A : f32 to vector<16xf32>
    %scan3A = arith.constant 0 : i32
    %scan3A_2 = arith.constant 0 : i32
    %scan3A_3 = arith.constant 578 : i32
    %scan3A_4 = arith.addi %scan3A_2, %scan3A_3 : i32
    %scan3A_5 = arith.constant 1 : i32
    scf.for %scan3A_30 = %scan3A_2 to %scan3A_4 step %scan3A_5  : i32 {
      %mul3A_31 = arith.constant 128 : i32
      %mul3A_32 = arith.muli %scan3A_30, %mul3A_31 : i32
      %add3A_33 = arith.constant 0 : i32
      %add3A_34 = arith.addi %mul3A_32, %add3A_33 : i32
      %swap3A = arith.index_cast %add3A_34 : i32 to index
      %swap3A_35 = tpu.vector_load %arg10[%swap3A] {strides = array<i32>} : memref<73984xf32, #tpu.memory_space<vmem>>, vector<16xf32>,
      tpu.vector_store %arg10[%swap3A], %broadcast_in_dim3A_1 {strides = array<i32>} : memref<73984xf32, #tpu.memory_space<vmem>>, vector<16xf32>,
      %add3A_36 = arith.constant 16 : i32
      %add3A_37 = arith.addi %mul3A_32, %add3A_36 : i32
      %swap3A_38 = arith.index_cast %add3A_37 : i32 to index
      %swap3A_39 = tpu.vector_load %arg10[%swap3A_38] {strides = array<i32>} : memref<73984xf32, #tpu.memory_space<vmem>>, vector<16xf32>,
      tpu.vector_store %arg10[%swap3A_38], %broadcast_in_dim3A_1 {strides = array<i32>} : memref<73984xf32, #tpu.memory_space<vmem>>, vector<16xf32>,
      %add3A_40 = arith.constant 32 : i32
      %add3A_41 = arith.addi %mul3A_32, %add3A_40 : i32
      %swap3A_42 = arith.index_cast %add3A_41 : i32 to index
      %swap3A_43 = tpu.vector_load %arg10[%swap3A_42] {strides = array<i32>} : memref<73984xf32, #tpu.memory_space<vmem>>, vector<16xf32>,
      tpu.vector_store %arg10[%swap3A_42], %broadcast_in_dim3A_1 {strides = array<i32>} : memref<73984xf32, #tpu.memory_space<vmem>>, vector<16xf32>,
      %add3A_44 = arith.constant 48 : i32
      %add3A_45 = arith.addi %mul3A_32, %add3A_44 : i32
      %swap3A_46 = arith.index_cast %add3A_45 : i32 to index
      %swap3A_47 = tpu.vector_load %arg10[%swap3A_46] {strides = array<i32>} : memref<73984xf32, #tpu.memory_space<vmem>>, vector<16xf32>,
      tpu.vector_store %arg10[%swap3A_46], %broadcast_in_dim3A_1 {strides = array<i32>} : memref<73984xf32, #tpu.memory_space<vmem>>, vector<16xf32>,
      %add3A_48 = arith.constant 64 : i32
      %add3A_49 = arith.addi %mul3A_32, %add3A_48 : i32
      %swap3A_50 = arith.index_cast %add3A_49 : i32 to index
      %swap3A_51 = tpu.vector_load %arg10[%swap3A_50] {strides = array<i32>} : memref<73984xf32, #tpu.memory_space<vmem>>, vector<16xf32>,
      tpu.vector_store %arg10[%swap3A_50], %broadcast_in_dim3A_1 {strides = array<i32>} : memref<73984xf32, #tpu.memory_space<vmem>>, vector<16xf32>,
      %add3A_52 = arith.constant 80 : i32
      %add3A_53 = arith.addi %mul3A_32, %add3A_52 : i32
      %swap3A_54 = arith.index_cast %add3A_53 : i32 to index
      %swap3A_55 = tpu.vector_load %arg10[%swap3A_54] {strides = array<i32>} : memref<73984xf32, #tpu.memory_space<vmem>>, vector<16xf32>,
      tpu.vector_store %arg10[%swap3A_54], %broadcast_in_dim3A_1 {strides = array<i32>} : memref<73984xf32, #tpu.memory_space<vmem>>, vector<16xf32>,
      %add3A_56 = arith.constant 96 : i32
      %add3A_57 = arith.addi %mul3A_32, %add3A_56 : i32
      %swap3A_58 = arith.index_cast %add3A_57 : i32 to index
      %swap3A_59 = tpu.vector_load %arg10[%swap3A_58] {strides = array<i32>} : memref<73984xf32, #tpu.memory_space<vmem>>, vector<16xf32>,
      tpu.vector_store %arg10[%swap3A_58], %broadcast_in_dim3A_1 {strides = array<i32>} : memref<73984xf32, #tpu.memory_space<vmem>>, vector<16xf32>,
      %add3A_60 = arith.constant 112 : i32
      %add3A_61 = arith.addi %mul3A_32, %add3A_60 : i32
      %swap3A_62 = arith.index_cast %add3A_61 : i32 to index
      %swap3A_63 = tpu.vector_load %arg10[%swap3A_62] {strides = array<i32>} : memref<73984xf32, #tpu.memory_space<vmem>>, vector<16xf32>,
      tpu.vector_store %arg10[%swap3A_62], %broadcast_in_dim3A_1 {strides = array<i32>} : memref<73984xf32, #tpu.memory_space<vmem>>, vector<16xf32>,
    }
    %scan3A_6 = arith.constant 578 : i32
    %run_scoped3A = arith.constant 0 : i32
    "tpu.region"() ({
      %run_scoped3A_30 = tpu.sem_alloc : memref<!tpu.dma_semaphore, #tpu.memory_space<semaphore_mem>>
      %dma_start3A = arith.constant 0 : i32
      %dma_start3A_31 = tpu.memref_slice %arg2[%add3A, %run_scoped3A, %dma_start3A] : memref<32x2x8576xi32, #tpu.memory_space<hbm>> -> memref<1x1x8576xi32, #tpu.memory_space<hbm>>
      %dma_start3A_32 = tpu.memref_squeeze %dma_start3A_31 : memref<1x1x8576xi32, #tpu.memory_space<hbm>> -> memref<8576xi32, #tpu.memory_space<hbm>>
      %dma_start3A_33 = arith.constant 0 : i32
      %dma_start3A_34 = tpu.memref_slice %arg2[%add3A, %run_scoped3A, %dma_start3A_33] : memref<32x2x8576xi32, #tpu.memory_space<hbm>> -> memref<1x1x8576xi32, #tpu.memory_space<hbm>>
      %dma_start3A_35 = tpu.memref_squeeze %dma_start3A_34 : memref<1x1x8576xi32, #tpu.memory_space<hbm>> -> memref<8576xi32, #tpu.memory_space<hbm>>
      tpu.enqueue_dma source(%dma_start3A_35 : memref<8576xi32, #tpu.memory_space<hbm>>) target(%arg7 : memref<8576xi32, #tpu.memory_space<vmem>>) target_semaphore(%run_scoped3A_30 : memref<!tpu.dma_semaphore, #tpu.memory_space<semaphore_mem>>)
      %dma_wait3A = arith.constant 0 : i32
      %dma_wait3A_36 = tpu.memref_slice %arg2[%add3A, %run_scoped3A, %dma_wait3A] : memref<32x2x8576xi32, #tpu.memory_space<hbm>> -> memref<1x1x8576xi32, #tpu.memory_space<hbm>>
      %dma_wait3A_37 = tpu.memref_squeeze %dma_wait3A_36 : memref<1x1x8576xi32, #tpu.memory_space<hbm>> -> memref<8576xi32, #tpu.memory_space<hbm>>
      %dma_wait3A_38 = arith.constant 0 : i32
      %dma_wait3A_39 = tpu.memref_slice %arg2[%add3A, %run_scoped3A, %dma_wait3A_38] : memref<32x2x8576xi32, #tpu.memory_space<hbm>> -> memref<1x1x8576xi32, #tpu.memory_space<hbm>>
      %dma_wait3A_40 = tpu.memref_squeeze %dma_wait3A_39 : memref<1x1x8576xi32, #tpu.memory_space<hbm>> -> memref<8576xi32, #tpu.memory_space<hbm>>
      tpu.wait_dma2 semaphore(%run_scoped3A_30 : memref<!tpu.dma_semaphore, #tpu.memory_space<semaphore_mem>>) src(%dma_wait3A_40 : memref<8576xi32, #tpu.memory_space<hbm>>) dst(%arg7 : memref<8576xi32, #tpu.memory_space<vmem>>)
      tpu.yield
    }) : () -> ()
    %run_scoped3A_7 = arith.constant 1 : i32
    "tpu.region"() ({
      %run_scoped3A_30 = tpu.sem_alloc : memref<!tpu.dma_semaphore, #tpu.memory_space<semaphore_mem>>
      %dma_start3A = arith.constant 0 : i32
      %dma_start3A_31 = tpu.memref_slice %arg2[%add3A, %run_scoped3A_7, %dma_start3A] : memref<32x2x8576xi32, #tpu.memory_space<hbm>> -> memref<1x1x8576xi32, #tpu.memory_space<hbm>>
      %dma_start3A_32 = tpu.memref_squeeze %dma_start3A_31 : memref<1x1x8576xi32, #tpu.memory_space<hbm>> -> memref<8576xi32, #tpu.memory_space<hbm>>
      %dma_start3A_33 = arith.constant 0 : i32
      %dma_start3A_34 = tpu.memref_slice %arg2[%add3A, %run_scoped3A_7, %dma_start3A_33] : memref<32x2x8576xi32, #tpu.memory_space<hbm>> -> memref<1x1x8576xi32, #tpu.memory_space<hbm>>
      %dma_start3A_35 = tpu.memref_squeeze %dma_start3A_34 : memref<1x1x8576xi32, #tpu.memory_space<hbm>> -> memref<8576xi32, #tpu.memory_space<hbm>>
      tpu.enqueue_dma source(%dma_start3A_35 : memref<8576xi32, #tpu.memory_space<hbm>>) target(%arg8 : memref<8576xi32, #tpu.memory_space<vmem>>) target_semaphore(%run_scoped3A_30 : memref<!tpu.dma_semaphore, #tpu.memory_space<semaphore_mem>>)
      %dma_wait3A = arith.constant 0 : i32
      %dma_wait3A_36 = tpu.memref_slice %arg2[%add3A, %run_scoped3A_7, %dma_wait3A] : memref<32x2x8576xi32, #tpu.memory_space<hbm>> -> memref<1x1x8576xi32, #tpu.memory_space<hbm>>
      %dma_wait3A_37 = tpu.memref_squeeze %dma_wait3A_36 : memref<1x1x8576xi32, #tpu.memory_space<hbm>> -> memref<8576xi32, #tpu.memory_space<hbm>>
      %dma_wait3A_38 = arith.constant 0 : i32
      %dma_wait3A_39 = tpu.memref_slice %arg2[%add3A, %run_scoped3A_7, %dma_wait3A_38] : memref<32x2x8576xi32, #tpu.memory_space<hbm>> -> memref<1x1x8576xi32, #tpu.memory_space<hbm>>
      %dma_wait3A_40 = tpu.memref_squeeze %dma_wait3A_39 : memref<1x1x8576xi32, #tpu.memory_space<hbm>> -> memref<8576xi32, #tpu.memory_space<hbm>>
      tpu.wait_dma2 semaphore(%run_scoped3A_30 : memref<!tpu.dma_semaphore, #tpu.memory_space<semaphore_mem>>) src(%dma_wait3A_40 : memref<8576xi32, #tpu.memory_space<hbm>>) dst(%arg8 : memref<8576xi32, #tpu.memory_space<vmem>>)
      tpu.yield
    }) : () -> ()
    "tpu.region"() ({
      %run_scoped3A_30 = tpu.sem_alloc : memref<!tpu.dma_semaphore, #tpu.memory_space<semaphore_mem>>
      %dma_start3A = arith.constant 0 : i32
      %dma_start3A_31 = tpu.memref_slice %arg4[%add3A, %dma_start3A] : memref<32x8576xf32, #tpu.memory_space<hbm>> -> memref<1x8576xf32, #tpu.memory_space<hbm>>
      %dma_start3A_32 = tpu.memref_squeeze %dma_start3A_31 : memref<1x8576xf32, #tpu.memory_space<hbm>> -> memref<8576xf32, #tpu.memory_space<hbm>>
      %dma_start3A_33 = arith.constant 0 : i32
      %dma_start3A_34 = tpu.memref_slice %arg4[%add3A, %dma_start3A_33] : memref<32x8576xf32, #tpu.memory_space<hbm>> -> memref<1x8576xf32, #tpu.memory_space<hbm>>
      %dma_start3A_35 = tpu.memref_squeeze %dma_start3A_34 : memref<1x8576xf32, #tpu.memory_space<hbm>> -> memref<8576xf32, #tpu.memory_space<hbm>>
      tpu.enqueue_dma source(%dma_start3A_35 : memref<8576xf32, #tpu.memory_space<hbm>>) target(%arg9 : memref<8576xf32, #tpu.memory_space<vmem>>) target_semaphore(%run_scoped3A_30 : memref<!tpu.dma_semaphore, #tpu.memory_space<semaphore_mem>>)
      %dma_wait3A = arith.constant 0 : i32
      %dma_wait3A_36 = tpu.memref_slice %arg4[%add3A, %dma_wait3A] : memref<32x8576xf32, #tpu.memory_space<hbm>> -> memref<1x8576xf32, #tpu.memory_space<hbm>>
      %dma_wait3A_37 = tpu.memref_squeeze %dma_wait3A_36 : memref<1x8576xf32, #tpu.memory_space<hbm>> -> memref<8576xf32, #tpu.memory_space<hbm>>
      %dma_wait3A_38 = arith.constant 0 : i32
      %dma_wait3A_39 = tpu.memref_slice %arg4[%add3A, %dma_wait3A_38] : memref<32x8576xf32, #tpu.memory_space<hbm>> -> memref<1x8576xf32, #tpu.memory_space<hbm>>
      %dma_wait3A_40 = tpu.memref_squeeze %dma_wait3A_39 : memref<1x8576xf32, #tpu.memory_space<hbm>> -> memref<8576xf32, #tpu.memory_space<hbm>>
      tpu.wait_dma2 semaphore(%run_scoped3A_30 : memref<!tpu.dma_semaphore, #tpu.memory_space<semaphore_mem>>) src(%dma_wait3A_40 : memref<8576xf32, #tpu.memory_space<hbm>>) dst(%arg9 : memref<8576xf32, #tpu.memory_space<vmem>>)
      tpu.yield
    }) : () -> ()
    %scan3A_8 = arith.constant 0 : i32
    %scan3A_9 = arith.constant 0 : i32
    %scan3A_10 = arith.constant 134 : i32
    %scan3A_11 = arith.addi %scan3A_9, %scan3A_10 : i32
    %scan3A_12 = arith.constant 1 : i32
    scf.for %scan3A_30 = %scan3A_9 to %scan3A_11 step %scan3A_12  : i32 {
      %mul3A_31 = arith.constant 64 : i32
      %mul3A_32 = arith.muli %scan3A_30, %mul3A_31 : i32
      %add3A_33 = arith.constant 0 : i32
      %add3A_34 = arith.addi %mul3A_32, %add3A_33 : i32
      %get3A = arith.index_cast %add3A_34 : i32 to index
      %get3A_35 = tpu.vector_load %arg7[%get3A] {strides = array<i32>} : memref<8576xi32, #tpu.memory_space<vmem>>, vector<16xi32>,
      %get3A_36 = arith.index_cast %add3A_34 : i32 to index
      %get3A_37 = tpu.vector_load %arg8[%get3A_36] {strides = array<i32>} : memref<8576xi32, #tpu.memory_space<vmem>>, vector<16xi32>,
      %get3A_38 = arith.index_cast %add3A_34 : i32 to index
      %get3A_39 = tpu.vector_load %arg9[%get3A_38] {strides = array<i32>} : memref<8576xf32, #tpu.memory_space<vmem>>, vector<16xf32>,
      %mul3A_40 = arith.constant 272 : i32
      %mul3A_41 = vector.broadcast %mul3A_40 : i32 to vector<16xi32>
      %mul3A_42 = arith.muli %get3A_37, %mul3A_41 : vector<16xi32>
      %add3A_43 = arith.addi %mul3A_42, %get3A_35 : vector<16xi32>
      tpu.vector_store_idx %arg10[%add3A_43], %get3A_39 {add = true} : memref<73984xf32, #tpu.memory_space<vmem>>[vector<16xi32>], vector<16xf32>,
      %add3A_44 = arith.constant 16 : i32
      %add3A_45 = arith.addi %mul3A_32, %add3A_44 : i32
      %get3A_46 = arith.index_cast %add3A_45 : i32 to index
      %get3A_47 = tpu.vector_load %arg7[%get3A_46] {strides = array<i32>} : memref<8576xi32, #tpu.memory_space<vmem>>, vector<16xi32>,
      %get3A_48 = arith.index_cast %add3A_45 : i32 to index
      %get3A_49 = tpu.vector_load %arg8[%get3A_48] {strides = array<i32>} : memref<8576xi32, #tpu.memory_space<vmem>>, vector<16xi32>,
      %get3A_50 = arith.index_cast %add3A_45 : i32 to index
      %get3A_51 = tpu.vector_load %arg9[%get3A_50] {strides = array<i32>} : memref<8576xf32, #tpu.memory_space<vmem>>, vector<16xf32>,
      %mul3A_52 = arith.constant 272 : i32
      %mul3A_53 = vector.broadcast %mul3A_52 : i32 to vector<16xi32>
      %mul3A_54 = arith.muli %get3A_49, %mul3A_53 : vector<16xi32>
      %add3A_55 = arith.addi %mul3A_54, %get3A_47 : vector<16xi32>
      tpu.vector_store_idx %arg10[%add3A_55], %get3A_51 {add = true} : memref<73984xf32, #tpu.memory_space<vmem>>[vector<16xi32>], vector<16xf32>,
      %add3A_56 = arith.constant 32 : i32
      %add3A_57 = arith.addi %mul3A_32, %add3A_56 : i32
      %get3A_58 = arith.index_cast %add3A_57 : i32 to index
      %get3A_59 = tpu.vector_load %arg7[%get3A_58] {strides = array<i32>} : memref<8576xi32, #tpu.memory_space<vmem>>, vector<16xi32>,
      %get3A_60 = arith.index_cast %add3A_57 : i32 to index
      %get3A_61 = tpu.vector_load %arg8[%get3A_60] {strides = array<i32>} : memref<8576xi32, #tpu.memory_space<vmem>>, vector<16xi32>,
      %get3A_62 = arith.index_cast %add3A_57 : i32 to index
      %get3A_63 = tpu.vector_load %arg9[%get3A_62] {strides = array<i32>} : memref<8576xf32, #tpu.memory_space<vmem>>, vector<16xf32>,
      %mul3A_64 = arith.constant 272 : i32
      %mul3A_65 = vector.broadcast %mul3A_64 : i32 to vector<16xi32>
      %mul3A_66 = arith.muli %get3A_61, %mul3A_65 : vector<16xi32>
      %add3A_67 = arith.addi %mul3A_66, %get3A_59 : vector<16xi32>
      tpu.vector_store_idx %arg10[%add3A_67], %get3A_63 {add = true} : memref<73984xf32, #tpu.memory_space<vmem>>[vector<16xi32>], vector<16xf32>,
      %add3A_68 = arith.constant 48 : i32
      %add3A_69 = arith.addi %mul3A_32, %add3A_68 : i32
      %get3A_70 = arith.index_cast %add3A_69 : i32 to index
      %get3A_71 = tpu.vector_load %arg7[%get3A_70] {strides = array<i32>} : memref<8576xi32, #tpu.memory_space<vmem>>, vector<16xi32>,
      %get3A_72 = arith.index_cast %add3A_69 : i32 to index
      %get3A_73 = tpu.vector_load %arg8[%get3A_72] {strides = array<i32>} : memref<8576xi32, #tpu.memory_space<vmem>>, vector<16xi32>,
      %get3A_74 = arith.index_cast %add3A_69 : i32 to index
      %get3A_75 = tpu.vector_load %arg9[%get3A_74] {strides = array<i32>} : memref<8576xf32, #tpu.memory_space<vmem>>, vector<16xf32>,
      %mul3A_76 = arith.constant 272 : i32
      %mul3A_77 = vector.broadcast %mul3A_76 : i32 to vector<16xi32>
      %mul3A_78 = arith.muli %get3A_73, %mul3A_77 : vector<16xi32>
      %add3A_79 = arith.addi %mul3A_78, %get3A_71 : vector<16xi32>
      tpu.vector_store_idx %arg10[%add3A_79], %get3A_75 {add = true} : memref<73984xf32, #tpu.memory_space<vmem>>[vector<16xi32>], vector<16xf32>,
    }
    %scan3A_13 = arith.constant 134 : i32
    %run_scoped3A_14 = arith.constant 0 : i32
    "tpu.region"() ({
      %run_scoped3A_30 = tpu.sem_alloc : memref<!tpu.dma_semaphore, #tpu.memory_space<semaphore_mem>>
      %dma_start3A = arith.constant 0 : i32
      %dma_start3A_31 = tpu.memref_slice %arg6[%add3A, %run_scoped3A_14, %dma_start3A] : memref<32x2x73984xf32, #tpu.memory_space<hbm>> -> memref<1x1x73984xf32, #tpu.memory_space<hbm>>
      %dma_start3A_32 = tpu.memref_squeeze %dma_start3A_31 : memref<1x1x73984xf32, #tpu.memory_space<hbm>> -> memref<73984xf32, #tpu.memory_space<hbm>>
      %dma_start3A_33 = arith.constant 0 : i32
      %dma_start3A_34 = tpu.memref_slice %arg6[%add3A, %run_scoped3A_14, %dma_start3A_33] : memref<32x2x73984xf32, #tpu.memory_space<hbm>> -> memref<1x1x73984xf32, #tpu.memory_space<hbm>>
      %dma_start3A_35 = tpu.memref_squeeze %dma_start3A_34 : memref<1x1x73984xf32, #tpu.memory_space<hbm>> -> memref<73984xf32, #tpu.memory_space<hbm>>
      tpu.enqueue_dma source(%arg10 : memref<73984xf32, #tpu.memory_space<vmem>>) target(%dma_start3A_35 : memref<73984xf32, #tpu.memory_space<hbm>>) target_semaphore(%run_scoped3A_30 : memref<!tpu.dma_semaphore, #tpu.memory_space<semaphore_mem>>)
      %dma_wait3A = arith.constant 0 : i32
      %dma_wait3A_36 = tpu.memref_slice %arg6[%add3A, %run_scoped3A_14, %dma_wait3A] : memref<32x2x73984xf32, #tpu.memory_space<hbm>> -> memref<1x1x73984xf32, #tpu.memory_space<hbm>>
      %dma_wait3A_37 = tpu.memref_squeeze %dma_wait3A_36 : memref<1x1x73984xf32, #tpu.memory_space<hbm>> -> memref<73984xf32, #tpu.memory_space<hbm>>
      %dma_wait3A_38 = arith.constant 0 : i32
      %dma_wait3A_39 = tpu.memref_slice %arg6[%add3A, %run_scoped3A_14, %dma_wait3A_38] : memref<32x2x73984xf32, #tpu.memory_space<hbm>> -> memref<1x1x73984xf32, #tpu.memory_space<hbm>>
      %dma_wait3A_40 = tpu.memref_squeeze %dma_wait3A_39 : memref<1x1x73984xf32, #tpu.memory_space<hbm>> -> memref<73984xf32, #tpu.memory_space<hbm>>
      tpu.wait_dma2 semaphore(%run_scoped3A_30 : memref<!tpu.dma_semaphore, #tpu.memory_space<semaphore_mem>>) src(%arg10 : memref<73984xf32, #tpu.memory_space<vmem>>) dst(%dma_wait3A_40 : memref<73984xf32, #tpu.memory_space<hbm>>)
      tpu.yield
    }) : () -> ()
    %scan3A_15 = arith.constant 0 : i32
    %scan3A_16 = arith.constant 0 : i32
    %scan3A_17 = arith.constant 578 : i32
    %scan3A_18 = arith.addi %scan3A_16, %scan3A_17 : i32
    %scan3A_19 = arith.constant 1 : i32
    scf.for %scan3A_30 = %scan3A_16 to %scan3A_18 step %scan3A_19  : i32 {
      %mul3A_31 = arith.constant 128 : i32
      %mul3A_32 = arith.muli %scan3A_30, %mul3A_31 : i32
      %add3A_33 = arith.constant 0 : i32
      %add3A_34 = arith.addi %mul3A_32, %add3A_33 : i32
      %swap3A = arith.index_cast %add3A_34 : i32 to index
      %swap3A_35 = tpu.vector_load %arg10[%swap3A] {strides = array<i32>} : memref<73984xf32, #tpu.memory_space<vmem>>, vector<16xf32>,
      tpu.vector_store %arg10[%swap3A], %broadcast_in_dim3A_1 {strides = array<i32>} : memref<73984xf32, #tpu.memory_space<vmem>>, vector<16xf32>,
      %add3A_36 = arith.constant 16 : i32
      %add3A_37 = arith.addi %mul3A_32, %add3A_36 : i32
      %swap3A_38 = arith.index_cast %add3A_37 : i32 to index
      %swap3A_39 = tpu.vector_load %arg10[%swap3A_38] {strides = array<i32>} : memref<73984xf32, #tpu.memory_space<vmem>>, vector<16xf32>,
      tpu.vector_store %arg10[%swap3A_38], %broadcast_in_dim3A_1 {strides = array<i32>} : memref<73984xf32, #tpu.memory_space<vmem>>, vector<16xf32>,
      %add3A_40 = arith.constant 32 : i32
      %add3A_41 = arith.addi %mul3A_32, %add3A_40 : i32
      %swap3A_42 = arith.index_cast %add3A_41 : i32 to index
      %swap3A_43 = tpu.vector_load %arg10[%swap3A_42] {strides = array<i32>} : memref<73984xf32, #tpu.memory_space<vmem>>, vector<16xf32>,
      tpu.vector_store %arg10[%swap3A_42], %broadcast_in_dim3A_1 {strides = array<i32>} : memref<73984xf32, #tpu.memory_space<vmem>>, vector<16xf32>,
      %add3A_44 = arith.constant 48 : i32
      %add3A_45 = arith.addi %mul3A_32, %add3A_44 : i32
      %swap3A_46 = arith.index_cast %add3A_45 : i32 to index
      %swap3A_47 = tpu.vector_load %arg10[%swap3A_46] {strides = array<i32>} : memref<73984xf32, #tpu.memory_space<vmem>>, vector<16xf32>,
      tpu.vector_store %arg10[%swap3A_46], %broadcast_in_dim3A_1 {strides = array<i32>} : memref<73984xf32, #tpu.memory_space<vmem>>, vector<16xf32>,
      %add3A_48 = arith.constant 64 : i32
      %add3A_49 = arith.addi %mul3A_32, %add3A_48 : i32
      %swap3A_50 = arith.index_cast %add3A_49 : i32 to index
      %swap3A_51 = tpu.vector_load %arg10[%swap3A_50] {strides = array<i32>} : memref<73984xf32, #tpu.memory_space<vmem>>, vector<16xf32>,
      tpu.vector_store %arg10[%swap3A_50], %broadcast_in_dim3A_1 {strides = array<i32>} : memref<73984xf32, #tpu.memory_space<vmem>>, vector<16xf32>,
      %add3A_52 = arith.constant 80 : i32
      %add3A_53 = arith.addi %mul3A_32, %add3A_52 : i32
      %swap3A_54 = arith.index_cast %add3A_53 : i32 to index
      %swap3A_55 = tpu.vector_load %arg10[%swap3A_54] {strides = array<i32>} : memref<73984xf32, #tpu.memory_space<vmem>>, vector<16xf32>,
      tpu.vector_store %arg10[%swap3A_54], %broadcast_in_dim3A_1 {strides = array<i32>} : memref<73984xf32, #tpu.memory_space<vmem>>, vector<16xf32>,
      %add3A_56 = arith.constant 96 : i32
      %add3A_57 = arith.addi %mul3A_32, %add3A_56 : i32
      %swap3A_58 = arith.index_cast %add3A_57 : i32 to index
      %swap3A_59 = tpu.vector_load %arg10[%swap3A_58] {strides = array<i32>} : memref<73984xf32, #tpu.memory_space<vmem>>, vector<16xf32>,
      tpu.vector_store %arg10[%swap3A_58], %broadcast_in_dim3A_1 {strides = array<i32>} : memref<73984xf32, #tpu.memory_space<vmem>>, vector<16xf32>,
      %add3A_60 = arith.constant 112 : i32
      %add3A_61 = arith.addi %mul3A_32, %add3A_60 : i32
      %swap3A_62 = arith.index_cast %add3A_61 : i32 to index
      %swap3A_63 = tpu.vector_load %arg10[%swap3A_62] {strides = array<i32>} : memref<73984xf32, #tpu.memory_space<vmem>>, vector<16xf32>,
      tpu.vector_store %arg10[%swap3A_62], %broadcast_in_dim3A_1 {strides = array<i32>} : memref<73984xf32, #tpu.memory_space<vmem>>, vector<16xf32>,
    }
    %scan3A_20 = arith.constant 578 : i32
    %run_scoped3A_21 = arith.constant 0 : i32
    "tpu.region"() ({
      %run_scoped3A_30 = tpu.sem_alloc : memref<!tpu.dma_semaphore, #tpu.memory_space<semaphore_mem>>
      %dma_start3A = arith.constant 0 : i32
      %dma_start3A_31 = tpu.memref_slice %arg3[%add3A, %run_scoped3A_21, %dma_start3A] : memref<32x2x8576xi32, #tpu.memory_space<hbm>> -> memref<1x1x8576xi32, #tpu.memory_space<hbm>>
      %dma_start3A_32 = tpu.memref_squeeze %dma_start3A_31 : memref<1x1x8576xi32, #tpu.memory_space<hbm>> -> memref<8576xi32, #tpu.memory_space<hbm>>
      %dma_start3A_33 = arith.constant 0 : i32
      %dma_start3A_34 = tpu.memref_slice %arg3[%add3A, %run_scoped3A_21, %dma_start3A_33] : memref<32x2x8576xi32, #tpu.memory_space<hbm>> -> memref<1x1x8576xi32, #tpu.memory_space<hbm>>
      %dma_start3A_35 = tpu.memref_squeeze %dma_start3A_34 : memref<1x1x8576xi32, #tpu.memory_space<hbm>> -> memref<8576xi32, #tpu.memory_space<hbm>>
      tpu.enqueue_dma source(%dma_start3A_35 : memref<8576xi32, #tpu.memory_space<hbm>>) target(%arg7 : memref<8576xi32, #tpu.memory_space<vmem>>) target_semaphore(%run_scoped3A_30 : memref<!tpu.dma_semaphore, #tpu.memory_space<semaphore_mem>>)
      %dma_wait3A = arith.constant 0 : i32
      %dma_wait3A_36 = tpu.memref_slice %arg3[%add3A, %run_scoped3A_21, %dma_wait3A] : memref<32x2x8576xi32, #tpu.memory_space<hbm>> -> memref<1x1x8576xi32, #tpu.memory_space<hbm>>
      %dma_wait3A_37 = tpu.memref_squeeze %dma_wait3A_36 : memref<1x1x8576xi32, #tpu.memory_space<hbm>> -> memref<8576xi32, #tpu.memory_space<hbm>>
      %dma_wait3A_38 = arith.constant 0 : i32
      %dma_wait3A_39 = tpu.memref_slice %arg3[%add3A, %run_scoped3A_21, %dma_wait3A_38] : memref<32x2x8576xi32, #tpu.memory_space<hbm>> -> memref<1x1x8576xi32, #tpu.memory_space<hbm>>
      %dma_wait3A_40 = tpu.memref_squeeze %dma_wait3A_39 : memref<1x1x8576xi32, #tpu.memory_space<hbm>> -> memref<8576xi32, #tpu.memory_space<hbm>>
      tpu.wait_dma2 semaphore(%run_scoped3A_30 : memref<!tpu.dma_semaphore, #tpu.memory_space<semaphore_mem>>) src(%dma_wait3A_40 : memref<8576xi32, #tpu.memory_space<hbm>>) dst(%arg7 : memref<8576xi32, #tpu.memory_space<vmem>>)
      tpu.yield
    }) : () -> ()
    %run_scoped3A_22 = arith.constant 1 : i32
    "tpu.region"() ({
      %run_scoped3A_30 = tpu.sem_alloc : memref<!tpu.dma_semaphore, #tpu.memory_space<semaphore_mem>>
      %dma_start3A = arith.constant 0 : i32
      %dma_start3A_31 = tpu.memref_slice %arg3[%add3A, %run_scoped3A_22, %dma_start3A] : memref<32x2x8576xi32, #tpu.memory_space<hbm>> -> memref<1x1x8576xi32, #tpu.memory_space<hbm>>
      %dma_start3A_32 = tpu.memref_squeeze %dma_start3A_31 : memref<1x1x8576xi32, #tpu.memory_space<hbm>> -> memref<8576xi32, #tpu.memory_space<hbm>>
      %dma_start3A_33 = arith.constant 0 : i32
      %dma_start3A_34 = tpu.memref_slice %arg3[%add3A, %run_scoped3A_22, %dma_start3A_33] : memref<32x2x8576xi32, #tpu.memory_space<hbm>> -> memref<1x1x8576xi32, #tpu.memory_space<hbm>>
      %dma_start3A_35 = tpu.memref_squeeze %dma_start3A_34 : memref<1x1x8576xi32, #tpu.memory_space<hbm>> -> memref<8576xi32, #tpu.memory_space<hbm>>
      tpu.enqueue_dma source(%dma_start3A_35 : memref<8576xi32, #tpu.memory_space<hbm>>) target(%arg8 : memref<8576xi32, #tpu.memory_space<vmem>>) target_semaphore(%run_scoped3A_30 : memref<!tpu.dma_semaphore, #tpu.memory_space<semaphore_mem>>)
      %dma_wait3A = arith.constant 0 : i32
      %dma_wait3A_36 = tpu.memref_slice %arg3[%add3A, %run_scoped3A_22, %dma_wait3A] : memref<32x2x8576xi32, #tpu.memory_space<hbm>> -> memref<1x1x8576xi32, #tpu.memory_space<hbm>>
      %dma_wait3A_37 = tpu.memref_squeeze %dma_wait3A_36 : memref<1x1x8576xi32, #tpu.memory_space<hbm>> -> memref<8576xi32, #tpu.memory_space<hbm>>
      %dma_wait3A_38 = arith.constant 0 : i32
      %dma_wait3A_39 = tpu.memref_slice %arg3[%add3A, %run_scoped3A_22, %dma_wait3A_38] : memref<32x2x8576xi32, #tpu.memory_space<hbm>> -> memref<1x1x8576xi32, #tpu.memory_space<hbm>>
      %dma_wait3A_40 = tpu.memref_squeeze %dma_wait3A_39 : memref<1x1x8576xi32, #tpu.memory_space<hbm>> -> memref<8576xi32, #tpu.memory_space<hbm>>
      tpu.wait_dma2 semaphore(%run_scoped3A_30 : memref<!tpu.dma_semaphore, #tpu.memory_space<semaphore_mem>>) src(%dma_wait3A_40 : memref<8576xi32, #tpu.memory_space<hbm>>) dst(%arg8 : memref<8576xi32, #tpu.memory_space<vmem>>)
      tpu.yield
    }) : () -> ()
    "tpu.region"() ({
      %run_scoped3A_30 = tpu.sem_alloc : memref<!tpu.dma_semaphore, #tpu.memory_space<semaphore_mem>>
      %dma_start3A = arith.constant 0 : i32
      %dma_start3A_31 = tpu.memref_slice %arg5[%add3A, %dma_start3A] : memref<32x8576xf32, #tpu.memory_space<hbm>> -> memref<1x8576xf32, #tpu.memory_space<hbm>>
      %dma_start3A_32 = tpu.memref_squeeze %dma_start3A_31 : memref<1x8576xf32, #tpu.memory_space<hbm>> -> memref<8576xf32, #tpu.memory_space<hbm>>
      %dma_start3A_33 = arith.constant 0 : i32
      %dma_start3A_34 = tpu.memref_slice %arg5[%add3A, %dma_start3A_33] : memref<32x8576xf32, #tpu.memory_space<hbm>> -> memref<1x8576xf32, #tpu.memory_space<hbm>>
      %dma_start3A_35 = tpu.memref_squeeze %dma_start3A_34 : memref<1x8576xf32, #tpu.memory_space<hbm>> -> memref<8576xf32, #tpu.memory_space<hbm>>
      tpu.enqueue_dma source(%dma_start3A_35 : memref<8576xf32, #tpu.memory_space<hbm>>) target(%arg9 : memref<8576xf32, #tpu.memory_space<vmem>>) target_semaphore(%run_scoped3A_30 : memref<!tpu.dma_semaphore, #tpu.memory_space<semaphore_mem>>)
      %dma_wait3A = arith.constant 0 : i32
      %dma_wait3A_36 = tpu.memref_slice %arg5[%add3A, %dma_wait3A] : memref<32x8576xf32, #tpu.memory_space<hbm>> -> memref<1x8576xf32, #tpu.memory_space<hbm>>
      %dma_wait3A_37 = tpu.memref_squeeze %dma_wait3A_36 : memref<1x8576xf32, #tpu.memory_space<hbm>> -> memref<8576xf32, #tpu.memory_space<hbm>>
      %dma_wait3A_38 = arith.constant 0 : i32
      %dma_wait3A_39 = tpu.memref_slice %arg5[%add3A, %dma_wait3A_38] : memref<32x8576xf32, #tpu.memory_space<hbm>> -> memref<1x8576xf32, #tpu.memory_space<hbm>>
      %dma_wait3A_40 = tpu.memref_squeeze %dma_wait3A_39 : memref<1x8576xf32, #tpu.memory_space<hbm>> -> memref<8576xf32, #tpu.memory_space<hbm>>
      tpu.wait_dma2 semaphore(%run_scoped3A_30 : memref<!tpu.dma_semaphore, #tpu.memory_space<semaphore_mem>>) src(%dma_wait3A_40 : memref<8576xf32, #tpu.memory_space<hbm>>) dst(%arg9 : memref<8576xf32, #tpu.memory_space<vmem>>)
      tpu.yield
    }) : () -> ()
    %scan3A_23 = arith.constant 0 : i32
    %scan3A_24 = arith.constant 0 : i32
    %scan3A_25 = arith.constant 134 : i32
    %scan3A_26 = arith.addi %scan3A_24, %scan3A_25 : i32
    %scan3A_27 = arith.constant 1 : i32
    scf.for %scan3A_30 = %scan3A_24 to %scan3A_26 step %scan3A_27  : i32 {
      %mul3A_31 = arith.constant 64 : i32
      %mul3A_32 = arith.muli %scan3A_30, %mul3A_31 : i32
      %add3A_33 = arith.constant 0 : i32
      %add3A_34 = arith.addi %mul3A_32, %add3A_33 : i32
      %get3A = arith.index_cast %add3A_34 : i32 to index
      %get3A_35 = tpu.vector_load %arg7[%get3A] {strides = array<i32>} : memref<8576xi32, #tpu.memory_space<vmem>>, vector<16xi32>,
      %get3A_36 = arith.index_cast %add3A_34 : i32 to index
      %get3A_37 = tpu.vector_load %arg8[%get3A_36] {strides = array<i32>} : memref<8576xi32, #tpu.memory_space<vmem>>, vector<16xi32>,
      %get3A_38 = arith.index_cast %add3A_34 : i32 to index
      %get3A_39 = tpu.vector_load %arg9[%get3A_38] {strides = array<i32>} : memref<8576xf32, #tpu.memory_space<vmem>>, vector<16xf32>,
      %mul3A_40 = arith.constant 272 : i32
      %mul3A_41 = vector.broadcast %mul3A_40 : i32 to vector<16xi32>
      %mul3A_42 = arith.muli %get3A_37, %mul3A_41 : vector<16xi32>
      %add3A_43 = arith.addi %mul3A_42, %get3A_35 : vector<16xi32>
      tpu.vector_store_idx %arg10[%add3A_43], %get3A_39 {add = true} : memref<73984xf32, #tpu.memory_space<vmem>>[vector<16xi32>], vector<16xf32>,
      %add3A_44 = arith.constant 16 : i32
      %add3A_45 = arith.addi %mul3A_32, %add3A_44 : i32
      %get3A_46 = arith.index_cast %add3A_45 : i32 to index
      %get3A_47 = tpu.vector_load %arg7[%get3A_46] {strides = array<i32>} : memref<8576xi32, #tpu.memory_space<vmem>>, vector<16xi32>,
      %get3A_48 = arith.index_cast %add3A_45 : i32 to index
      %get3A_49 = tpu.vector_load %arg8[%get3A_48] {strides = array<i32>} : memref<8576xi32, #tpu.memory_space<vmem>>, vector<16xi32>,
      %get3A_50 = arith.index_cast %add3A_45 : i32 to index
      %get3A_51 = tpu.vector_load %arg9[%get3A_50] {strides = array<i32>} : memref<8576xf32, #tpu.memory_space<vmem>>, vector<16xf32>,
      %mul3A_52 = arith.constant 272 : i32
      %mul3A_53 = vector.broadcast %mul3A_52 : i32 to vector<16xi32>
      %mul3A_54 = arith.muli %get3A_49, %mul3A_53 : vector<16xi32>
      %add3A_55 = arith.addi %mul3A_54, %get3A_47 : vector<16xi32>
      tpu.vector_store_idx %arg10[%add3A_55], %get3A_51 {add = true} : memref<73984xf32, #tpu.memory_space<vmem>>[vector<16xi32>], vector<16xf32>,
      %add3A_56 = arith.constant 32 : i32
      %add3A_57 = arith.addi %mul3A_32, %add3A_56 : i32
      %get3A_58 = arith.index_cast %add3A_57 : i32 to index
      %get3A_59 = tpu.vector_load %arg7[%get3A_58] {strides = array<i32>} : memref<8576xi32, #tpu.memory_space<vmem>>, vector<16xi32>,
      %get3A_60 = arith.index_cast %add3A_57 : i32 to index
      %get3A_61 = tpu.vector_load %arg8[%get3A_60] {strides = array<i32>} : memref<8576xi32, #tpu.memory_space<vmem>>, vector<16xi32>,
      %get3A_62 = arith.index_cast %add3A_57 : i32 to index
      %get3A_63 = tpu.vector_load %arg9[%get3A_62] {strides = array<i32>} : memref<8576xf32, #tpu.memory_space<vmem>>, vector<16xf32>,
      %mul3A_64 = arith.constant 272 : i32
      %mul3A_65 = vector.broadcast %mul3A_64 : i32 to vector<16xi32>
      %mul3A_66 = arith.muli %get3A_61, %mul3A_65 : vector<16xi32>
      %add3A_67 = arith.addi %mul3A_66, %get3A_59 : vector<16xi32>
      tpu.vector_store_idx %arg10[%add3A_67], %get3A_63 {add = true} : memref<73984xf32, #tpu.memory_space<vmem>>[vector<16xi32>], vector<16xf32>,
      %add3A_68 = arith.constant 48 : i32
      %add3A_69 = arith.addi %mul3A_32, %add3A_68 : i32
      %get3A_70 = arith.index_cast %add3A_69 : i32 to index
      %get3A_71 = tpu.vector_load %arg7[%get3A_70] {strides = array<i32>} : memref<8576xi32, #tpu.memory_space<vmem>>, vector<16xi32>,
      %get3A_72 = arith.index_cast %add3A_69 : i32 to index
      %get3A_73 = tpu.vector_load %arg8[%get3A_72] {strides = array<i32>} : memref<8576xi32, #tpu.memory_space<vmem>>, vector<16xi32>,
      %get3A_74 = arith.index_cast %add3A_69 : i32 to index
      %get3A_75 = tpu.vector_load %arg9[%get3A_74] {strides = array<i32>} : memref<8576xf32, #tpu.memory_space<vmem>>, vector<16xf32>,
      %mul3A_76 = arith.constant 272 : i32
      %mul3A_77 = vector.broadcast %mul3A_76 : i32 to vector<16xi32>
      %mul3A_78 = arith.muli %get3A_73, %mul3A_77 : vector<16xi32>
      %add3A_79 = arith.addi %mul3A_78, %get3A_71 : vector<16xi32>
      tpu.vector_store_idx %arg10[%add3A_79], %get3A_75 {add = true} : memref<73984xf32, #tpu.memory_space<vmem>>[vector<16xi32>], vector<16xf32>,
    }
    %scan3A_28 = arith.constant 134 : i32
    %run_scoped3A_29 = arith.constant 1 : i32
    "tpu.region"() ({
      %run_scoped3A_30 = tpu.sem_alloc : memref<!tpu.dma_semaphore, #tpu.memory_space<semaphore_mem>>
      %dma_start3A = arith.constant 0 : i32
      %dma_start3A_31 = tpu.memref_slice %arg6[%add3A, %run_scoped3A_29, %dma_start3A] : memref<32x2x73984xf32, #tpu.memory_space<hbm>> -> memref<1x1x73984xf32, #tpu.memory_space<hbm>>
      %dma_start3A_32 = tpu.memref_squeeze %dma_start3A_31 : memref<1x1x73984xf32, #tpu.memory_space<hbm>> -> memref<73984xf32, #tpu.memory_space<hbm>>
      %dma_start3A_33 = arith.constant 0 : i32
      %dma_start3A_34 = tpu.memref_slice %arg6[%add3A, %run_scoped3A_29, %dma_start3A_33] : memref<32x2x73984xf32, #tpu.memory_space<hbm>> -> memref<1x1x73984xf32, #tpu.memory_space<hbm>>
      %dma_start3A_35 = tpu.memref_squeeze %dma_start3A_34 : memref<1x1x73984xf32, #tpu.memory_space<hbm>> -> memref<73984xf32, #tpu.memory_space<hbm>>
      tpu.enqueue_dma source(%arg10 : memref<73984xf32, #tpu.memory_space<vmem>>) target(%dma_start3A_35 : memref<73984xf32, #tpu.memory_space<hbm>>) target_semaphore(%run_scoped3A_30 : memref<!tpu.dma_semaphore, #tpu.memory_space<semaphore_mem>>)
      %dma_wait3A = arith.constant 0 : i32
      %dma_wait3A_36 = tpu.memref_slice %arg6[%add3A, %run_scoped3A_29, %dma_wait3A] : memref<32x2x73984xf32, #tpu.memory_space<hbm>> -> memref<1x1x73984xf32, #tpu.memory_space<hbm>>
      %dma_wait3A_37 = tpu.memref_squeeze %dma_wait3A_36 : memref<1x1x73984xf32, #tpu.memory_space<hbm>> -> memref<73984xf32, #tpu.memory_space<hbm>>
      %dma_wait3A_38 = arith.constant 0 : i32
      %dma_wait3A_39 = tpu.memref_slice %arg6[%add3A, %run_scoped3A_29, %dma_wait3A_38] : memref<32x2x73984xf32, #tpu.memory_space<hbm>> -> memref<1x1x73984xf32, #tpu.memory_space<hbm>>
      %dma_wait3A_40 = tpu.memref_squeeze %dma_wait3A_39 : memref<1x1x73984xf32, #tpu.memory_space<hbm>> -> memref<73984xf32, #tpu.memory_space<hbm>>
      tpu.wait_dma2 semaphore(%run_scoped3A_30 : memref<!tpu.dma_semaphore, #tpu.memory_space<semaphore_mem>>) src(%arg10 : memref<73984xf32, #tpu.memory_space<vmem>>) dst(%dma_wait3A_40 : memref<73984xf32, #tpu.memory_space<hbm>>)
      tpu.yield
    }) : () -> ()
    return
  }
}

module attributes {stable_mosaic.version = 14 : i64} {
  func.func @_tc_body(%arg0: i32, %arg1: memref<1x2x272x272xf32, #tpu.memory_space<vmem>>, %arg2: memref<1x268x128xf32, #tpu.memory_space<vmem>>, %arg3: memref<1x268x128xf32, #tpu.memory_space<vmem>>, %arg4: memref<3x128x64xf32, #tpu.memory_space<vmem>>, %arg5: memref<64xf32, #tpu.memory_space<vmem>>, %arg6: memref<3x64x1xf32, #tpu.memory_space<vmem>>, %arg7: memref<1xf32, #tpu.memory_space<vmem>>, %arg8: memref<272x64xf32, #tpu.memory_space<vmem>>, %arg9: memref<64xf32, #tpu.memory_space<vmem>>, %arg10: memref<64x1xf32, #tpu.memory_space<vmem>>, %arg11: memref<1xf32, #tpu.memory_space<vmem>>, %arg12: memref<1x1x1xf32, #tpu.memory_space<vmem>>) attributes {dimension_semantics = [#tpu.dimension_semantics<arbitrary>], iteration_bounds = array<i64: 32>, scalar_prefetch = 0 : i64, scratch_operands = 0 : i64, tpu.core_type = #tpu.core_type<tc>, window_params = [{transform_indices = @transform_0, window_bounds = array<i64: 1, 2, 272, 272>}, {transform_indices = @transform_1, window_bounds = array<i64: 1, 268, 128>}, {transform_indices = @transform_2, window_bounds = array<i64: 1, 268, 128>}, {pipeline_mode = #tpu.pipeline_mode<synchronous>, transform_indices = @transform_3, window_bounds = array<i64: 3, 128, 64>}, {pipeline_mode = #tpu.pipeline_mode<synchronous>, transform_indices = @transform_4, window_bounds = array<i64: 64>}, {pipeline_mode = #tpu.pipeline_mode<synchronous>, transform_indices = @transform_5, window_bounds = array<i64: 3, 64, 1>}, {pipeline_mode = #tpu.pipeline_mode<synchronous>, transform_indices = @transform_6, window_bounds = array<i64: 1>}, {pipeline_mode = #tpu.pipeline_mode<synchronous>, transform_indices = @transform_7, window_bounds = array<i64: 272, 64>}, {pipeline_mode = #tpu.pipeline_mode<synchronous>, transform_indices = @transform_8, window_bounds = array<i64: 64>}, {pipeline_mode = #tpu.pipeline_mode<synchronous>, transform_indices = @transform_9, window_bounds = array<i64: 64, 1>}, {pipeline_mode = #tpu.pipeline_mode<synchronous>, transform_indices = @transform_10, window_bounds = array<i64: 1>}, {transform_indices = @transform_11, window_bounds = array<i64: 1, 1, 1>}]} {
    %get3A = arith.constant 0 : index
    %get3A_0 = vector.load %arg5[%get3A] : memref<64xf32, #tpu.memory_space<vmem>>, vector<64xf32>
    %get3A_1 = arith.constant 0 : index
    %get3A_2 = vector.load %arg7[%get3A_1] : memref<1xf32, #tpu.memory_space<vmem>>, vector<1xf32>
    %get3A_3 = vector.extract %get3A_2[0] : f32 from vector<1xf32>
    %get3A_4 = arith.constant 0 : index
    %get3A_5 = arith.constant 0 : index
    %get3A_6 = arith.constant 0 : index
    %get3A_7 = arith.constant 0 : index
    %get3A_8 = vector.load %arg1[%get3A_4, %get3A_5, %get3A_6, %get3A_7] : memref<1x2x272x272xf32, #tpu.memory_space<vmem>>, vector<1x1x272x272xf32>
    %get3A_9 = vector.shape_cast %get3A_8 : vector<1x1x272x272xf32> to vector<272x272xf32>
    %get3A_10 = arith.constant 0 : index
    %get3A_11 = arith.constant 0 : index
    %get3A_12 = arith.constant 0 : index
    %get3A_13 = vector.load %arg2[%get3A_10, %get3A_11, %get3A_12] : memref<1x268x128xf32, #tpu.memory_space<vmem>>, vector<1x268x128xf32>
    %get3A_14 = vector.shape_cast %get3A_13 : vector<1x268x128xf32> to vector<268x128xf32>
    %broadcast_in_dim3A = arith.constant 0.000000e+00 : f32
    %broadcast_in_dim3A_15 = vector.broadcast %broadcast_in_dim3A : f32 to vector<4x128xf32>
    %concatenate3A = tpu.concatenate %get3A_14, %broadcast_in_dim3A_15 in 0 : vector<268x128xf32>, vector<4x128xf32> -> vector<272x128xf32>
    %reduce_sum3A = arith.constant dense<0.000000e+00> : vector<272xf32>
    %reduce_sum3A_16 = vector.multi_reduction <add>, %get3A_9, %reduce_sum3A [0] : vector<272x272xf32> to vector<272xf32>
    %gt3A = arith.constant 0.000000e+00 : f32
    %gt3A_17 = vector.broadcast %gt3A : f32 to vector<272xf32>
    %gt3A_18 = arith.cmpf ogt, %reduce_sum3A_16, %gt3A_17 : vector<272xf32>
    %gt3A_19 = arith.constant 0.000000e+00 : f32
    %gt3A_20 = vector.broadcast %gt3A_19 : f32 to vector<272xf32>
    %gt3A_21 = arith.cmpf ogt, %reduce_sum3A_16, %gt3A_20 : vector<272xf32>
    %jit3A = arith.constant 1.000000e+00 : f32
    %broadcast_in_dim3A_22 = vector.broadcast %jit3A : f32 to vector<272xf32>
    %select_n3A = arith.select %gt3A_21, %reduce_sum3A_16, %broadcast_in_dim3A_22 : vector<272xi1>, vector<272xf32>
    %rsqrt3A = math.rsqrt %select_n3A : vector<272xf32>
    %jit3A_23 = arith.constant 0.000000e+00 : f32
    %broadcast_in_dim3A_24 = vector.broadcast %jit3A_23 : f32 to vector<272xf32>
    %select_n3A_25 = arith.select %gt3A_18, %rsqrt3A, %broadcast_in_dim3A_24 : vector<272xi1>, vector<272xf32>
    %broadcast_in_dim3A_26 = vector.shape_cast %select_n3A_25 : vector<272xf32> to vector<272x1xf32>
    %mul3A = vector.broadcast %broadcast_in_dim3A_26 : vector<272x1xf32> to vector<272x272xf32>
    %mul3A_27 = arith.mulf %mul3A, %get3A_9 : vector<272x272xf32>
    %broadcast_in_dim3A_28 = vector.shape_cast %select_n3A_25 : vector<272xf32> to vector<1x272xf32>
    %mul3A_29 = vector.broadcast %broadcast_in_dim3A_28 : vector<1x272xf32> to vector<272x272xf32>
    %mul3A_30 = arith.mulf %mul3A_27, %mul3A_29 : vector<272x272xf32>
    %neg3A = arith.constant 0.000000e+00 : f32
    %neg3A_31 = vector.broadcast %neg3A : f32 to vector<272x272xf32>
    %neg3A_32 = arith.subf %neg3A_31, %mul3A_30 : vector<272x272xf32>
    %convert_element_type3A = arith.truncf %neg3A_32 : vector<272x272xf32> to vector<272x272xbf16>
    %convert_element_type3A_33 = arith.extf %convert_element_type3A : vector<272x272xbf16> to vector<272x272xf32>
    %sub3A = arith.subf %neg3A_32, %convert_element_type3A_33 : vector<272x272xf32>
    %convert_element_type3A_34 = arith.truncf %sub3A : vector<272x272xf32> to vector<272x272xbf16>
    %convert_element_type3A_35 = arith.truncf %concatenate3A : vector<272x128xf32> to vector<272x128xbf16>
    %convert_element_type3A_36 = arith.extf %convert_element_type3A_35 : vector<272x128xbf16> to vector<272x128xf32>
    %sub3A_37 = arith.subf %concatenate3A, %convert_element_type3A_36 : vector<272x128xf32>
    %convert_element_type3A_38 = arith.truncf %sub3A_37 : vector<272x128xf32> to vector<272x128xbf16>
    %concatenate3A_39 = tpu.concatenate %convert_element_type3A_35, %convert_element_type3A_38 in 1 : vector<272x128xbf16>, vector<272x128xbf16> -> vector<272x256xbf16>
    %dot_general3A = arith.constant dense<0.000000e+00> : vector<272x256xf32>
    %dot_general3A_40 = tpu.matmul %convert_element_type3A, %concatenate3A_39, %dot_general3A {dimension_numbers = #tpu.dot_dimension_numbers<[1], [0], [0], [1], [0, 0, 1, 1], [], []>, transpose_lhs_hint = false} : vector<272x272xbf16>, vector<272x256xbf16>, vector<272x256xf32> -> vector<272x256xf32>
    %slice3A = vector.extract_strided_slice %dot_general3A_40 {offsets = [0, 0], sizes = [272, 128], strides = [1, 1]} : vector<272x256xf32> to vector<272x128xf32>
    %slice3A_41 = vector.extract_strided_slice %dot_general3A_40 {offsets = [0, 128], sizes = [272, 128], strides = [1, 1]} : vector<272x256xf32> to vector<272x128xf32>
    %add3A = arith.addf %slice3A, %slice3A_41 : vector<272x128xf32>
    %dot_general3A_42 = arith.constant dense<0.000000e+00> : vector<272x128xf32>
    %dot_general3A_43 = tpu.matmul %convert_element_type3A_34, %convert_element_type3A_35, %dot_general3A_42 {dimension_numbers = #tpu.dot_dimension_numbers<[1], [0], [0], [1], [0, 0, 1, 1], [], []>, transpose_lhs_hint = false} : vector<272x272xbf16>, vector<272x128xbf16>, vector<272x128xf32> -> vector<272x128xf32>
    %add3A_44 = arith.addf %add3A, %dot_general3A_43 : vector<272x128xf32>
    %convert_element_type3A_45 = arith.truncf %add3A_44 : vector<272x128xf32> to vector<272x128xbf16>
    %convert_element_type3A_46 = arith.extf %convert_element_type3A_45 : vector<272x128xbf16> to vector<272x128xf32>
    %sub3A_47 = arith.subf %add3A_44, %convert_element_type3A_46 : vector<272x128xf32>
    %convert_element_type3A_48 = arith.truncf %sub3A_47 : vector<272x128xf32> to vector<272x128xbf16>
    %concatenate3A_49 = tpu.concatenate %convert_element_type3A_45, %convert_element_type3A_48 in 1 : vector<272x128xbf16>, vector<272x128xbf16> -> vector<272x256xbf16>
    %dot_general3A_50 = arith.constant dense<0.000000e+00> : vector<272x256xf32>
    %dot_general3A_51 = tpu.matmul %convert_element_type3A, %concatenate3A_49, %dot_general3A_50 {dimension_numbers = #tpu.dot_dimension_numbers<[1], [0], [0], [1], [0, 0, 1, 1], [], []>, transpose_lhs_hint = false} : vector<272x272xbf16>, vector<272x256xbf16>, vector<272x256xf32> -> vector<272x256xf32>
    %slice3A_52 = vector.extract_strided_slice %dot_general3A_51 {offsets = [0, 0], sizes = [272, 128], strides = [1, 1]} : vector<272x256xf32> to vector<272x128xf32>
    %slice3A_53 = vector.extract_strided_slice %dot_general3A_51 {offsets = [0, 128], sizes = [272, 128], strides = [1, 1]} : vector<272x256xf32> to vector<272x128xf32>
    %add3A_54 = arith.addf %slice3A_52, %slice3A_53 : vector<272x128xf32>
    %dot_general3A_55 = arith.constant dense<0.000000e+00> : vector<272x128xf32>
    %dot_general3A_56 = tpu.matmul %convert_element_type3A_34, %convert_element_type3A_45, %dot_general3A_55 {dimension_numbers = #tpu.dot_dimension_numbers<[1], [0], [0], [1], [0, 0, 1, 1], [], []>, transpose_lhs_hint = false} : vector<272x272xbf16>, vector<272x128xbf16>, vector<272x128xf32> -> vector<272x128xf32>
    %add3A_57 = arith.addf %add3A_54, %dot_general3A_56 : vector<272x128xf32>
    %mul3A_58 = arith.constant 2.000000e+00 : f32
    %mul3A_59 = vector.broadcast %mul3A_58 : f32 to vector<272x128xf32>
    %mul3A_60 = arith.mulf %mul3A_59, %add3A_57 : vector<272x128xf32>
    %sub3A_61 = arith.subf %mul3A_60, %concatenate3A : vector<272x128xf32>
    %get3A_62 = arith.constant 0 : index
    %get3A_63 = arith.constant 0 : index
    %get3A_64 = arith.constant 0 : index
    %get3A_65 = vector.load %arg4[%get3A_62, %get3A_63, %get3A_64] : memref<3x128x64xf32, #tpu.memory_space<vmem>>, vector<1x128x64xf32>
    %get3A_66 = vector.shape_cast %get3A_65 : vector<1x128x64xf32> to vector<128x64xf32>
    %dot_general3A_67 = arith.constant dense<0.000000e+00> : vector<272x64xf32>
    %dot_general3A_68 = tpu.matmul %concatenate3A, %get3A_66, %dot_general3A_67 {dimension_numbers = #tpu.dot_dimension_numbers<[1], [0], [0], [1], [0, 0, 1, 1], [], []>, transpose_lhs_hint = false} : vector<272x128xf32>, vector<128x64xf32>, vector<272x64xf32> -> vector<272x64xf32>
    %get3A_69 = arith.constant 1 : index
    %get3A_70 = arith.constant 0 : index
    %get3A_71 = arith.constant 0 : index
    %get3A_72 = vector.load %arg4[%get3A_69, %get3A_70, %get3A_71] : memref<3x128x64xf32, #tpu.memory_space<vmem>>, vector<1x128x64xf32>
    %get3A_73 = vector.shape_cast %get3A_72 : vector<1x128x64xf32> to vector<128x64xf32>
    %dot_general3A_74 = arith.constant dense<0.000000e+00> : vector<272x64xf32>
    %dot_general3A_75 = tpu.matmul %add3A_44, %get3A_73, %dot_general3A_74 {dimension_numbers = #tpu.dot_dimension_numbers<[1], [0], [0], [1], [0, 0, 1, 1], [], []>, transpose_lhs_hint = false} : vector<272x128xf32>, vector<128x64xf32>, vector<272x64xf32> -> vector<272x64xf32>
    %add3A_76 = arith.addf %dot_general3A_68, %dot_general3A_75 : vector<272x64xf32>
    %get3A_77 = arith.constant 2 : index
    %get3A_78 = arith.constant 0 : index
    %get3A_79 = arith.constant 0 : index
    %get3A_80 = vector.load %arg4[%get3A_77, %get3A_78, %get3A_79] : memref<3x128x64xf32, #tpu.memory_space<vmem>>, vector<1x128x64xf32>
    %get3A_81 = vector.shape_cast %get3A_80 : vector<1x128x64xf32> to vector<128x64xf32>
    %dot_general3A_82 = arith.constant dense<0.000000e+00> : vector<272x64xf32>
    %dot_general3A_83 = tpu.matmul %sub3A_61, %get3A_81, %dot_general3A_82 {dimension_numbers = #tpu.dot_dimension_numbers<[1], [0], [0], [1], [0, 0, 1, 1], [], []>, transpose_lhs_hint = false} : vector<272x128xf32>, vector<128x64xf32>, vector<272x64xf32> -> vector<272x64xf32>
    %add3A_84 = arith.addf %add3A_76, %dot_general3A_83 : vector<272x64xf32>
    %broadcast_in_dim3A_85 = vector.shape_cast %get3A_0 : vector<64xf32> to vector<1x64xf32>
    %add3A_86 = vector.broadcast %broadcast_in_dim3A_85 : vector<1x64xf32> to vector<272x64xf32>
    %add3A_87 = arith.addf %add3A_84, %add3A_86 : vector<272x64xf32>
    %max3A = arith.constant 0.000000e+00 : f32
    %max3A_88 = vector.broadcast %max3A : f32 to vector<272x64xf32>
    %max3A_89 = arith.maximumf %add3A_87, %max3A_88 : vector<272x64xf32>
    %convert_element_type3A_90 = arith.truncf %max3A_89 : vector<272x64xf32> to vector<272x64xbf16>
    %convert_element_type3A_91 = arith.extf %convert_element_type3A_90 : vector<272x64xbf16> to vector<272x64xf32>
    %sub3A_92 = arith.subf %max3A_89, %convert_element_type3A_91 : vector<272x64xf32>
    %convert_element_type3A_93 = arith.truncf %sub3A_92 : vector<272x64xf32> to vector<272x64xbf16>
    %concatenate3A_94 = tpu.concatenate %convert_element_type3A_90, %convert_element_type3A_93 in 1 : vector<272x64xbf16>, vector<272x64xbf16> -> vector<272x128xbf16>
    %dot_general3A_95 = arith.constant dense<0.000000e+00> : vector<272x128xf32>
    %dot_general3A_96 = tpu.matmul %convert_element_type3A, %concatenate3A_94, %dot_general3A_95 {dimension_numbers = #tpu.dot_dimension_numbers<[1], [0], [0], [1], [0, 0, 1, 1], [], []>, transpose_lhs_hint = false} : vector<272x272xbf16>, vector<272x128xbf16>, vector<272x128xf32> -> vector<272x128xf32>
    %slice3A_97 = vector.extract_strided_slice %dot_general3A_96 {offsets = [0, 0], sizes = [272, 64], strides = [1, 1]} : vector<272x128xf32> to vector<272x64xf32>
    %slice3A_98 = vector.extract_strided_slice %dot_general3A_96 {offsets = [0, 64], sizes = [272, 64], strides = [1, 1]} : vector<272x128xf32> to vector<272x64xf32>
    %add3A_99 = arith.addf %slice3A_97, %slice3A_98 : vector<272x64xf32>
    %dot_general3A_100 = arith.constant dense<0.000000e+00> : vector<272x64xf32>
    %dot_general3A_101 = tpu.matmul %convert_element_type3A_34, %convert_element_type3A_90, %dot_general3A_100 {dimension_numbers = #tpu.dot_dimension_numbers<[1], [0], [0], [1], [0, 0, 1, 1], [], []>, transpose_lhs_hint = false} : vector<272x272xbf16>, vector<272x64xbf16>, vector<272x64xf32> -> vector<272x64xf32>
    %add3A_102 = arith.addf %add3A_99, %dot_general3A_101 : vector<272x64xf32>
    %convert_element_type3A_103 = arith.truncf %add3A_102 : vector<272x64xf32> to vector<272x64xbf16>
    %convert_element_type3A_104 = arith.extf %convert_element_type3A_103 : vector<272x64xbf16> to vector<272x64xf32>
    %sub3A_105 = arith.subf %add3A_102, %convert_element_type3A_104 : vector<272x64xf32>
    %convert_element_type3A_106 = arith.truncf %sub3A_105 : vector<272x64xf32> to vector<272x64xbf16>
    %concatenate3A_107 = tpu.concatenate %convert_element_type3A_103, %convert_element_type3A_106 in 1 : vector<272x64xbf16>, vector<272x64xbf16> -> vector<272x128xbf16>
    %dot_general3A_108 = arith.constant dense<0.000000e+00> : vector<272x128xf32>
    %dot_general3A_109 = tpu.matmul %convert_element_type3A, %concatenate3A_107, %dot_general3A_108 {dimension_numbers = #tpu.dot_dimension_numbers<[1], [0], [0], [1], [0, 0, 1, 1], [], []>, transpose_lhs_hint = false} : vector<272x272xbf16>, vector<272x128xbf16>, vector<272x128xf32> -> vector<272x128xf32>
    %slice3A_110 = vector.extract_strided_slice %dot_general3A_109 {offsets = [0, 0], sizes = [272, 64], strides = [1, 1]} : vector<272x128xf32> to vector<272x64xf32>
    %slice3A_111 = vector.extract_strided_slice %dot_general3A_109 {offsets = [0, 64], sizes = [272, 64], strides = [1, 1]} : vector<272x128xf32> to vector<272x64xf32>
    %add3A_112 = arith.addf %slice3A_110, %slice3A_111 : vector<272x64xf32>
    %dot_general3A_113 = arith.constant dense<0.000000e+00> : vector<272x64xf32>
    %dot_general3A_114 = tpu.matmul %convert_element_type3A_34, %convert_element_type3A_103, %dot_general3A_113 {dimension_numbers = #tpu.dot_dimension_numbers<[1], [0], [0], [1], [0, 0, 1, 1], [], []>, transpose_lhs_hint = false} : vector<272x272xbf16>, vector<272x64xbf16>, vector<272x64xf32> -> vector<272x64xf32>
    %add3A_115 = arith.addf %add3A_112, %dot_general3A_114 : vector<272x64xf32>
    %mul3A_116 = arith.constant 2.000000e+00 : f32
    %mul3A_117 = vector.broadcast %mul3A_116 : f32 to vector<272x64xf32>
    %mul3A_118 = arith.mulf %mul3A_117, %add3A_115 : vector<272x64xf32>
    %sub3A_119 = arith.subf %mul3A_118, %max3A_89 : vector<272x64xf32>
    %get3A_120 = arith.constant 0 : index
    %get3A_121 = arith.constant 0 : index
    %get3A_122 = arith.constant 0 : index
    %get3A_123 = vector.load %arg6[%get3A_120, %get3A_121, %get3A_122] : memref<3x64x1xf32, #tpu.memory_space<vmem>>, vector<3x64x1xf32>
    %slice3A_124 = vector.extract_strided_slice %get3A_123 {offsets = [0, 0, 0], sizes = [1, 64, 1], strides = [1, 1, 1]} : vector<3x64x1xf32> to vector<1x64x1xf32>
    %squeeze3A = vector.shape_cast %slice3A_124 : vector<1x64x1xf32> to vector<64x1xf32>
    %dot_general3A_125 = arith.constant dense<0.000000e+00> : vector<272x1xf32>
    %dot_general3A_126 = tpu.matmul %max3A_89, %squeeze3A, %dot_general3A_125 {dimension_numbers = #tpu.dot_dimension_numbers<[1], [0], [0], [1], [0, 0, 1, 1], [], []>, transpose_lhs_hint = false} : vector<272x64xf32>, vector<64x1xf32>, vector<272x1xf32> -> vector<272x1xf32>
    %slice3A_127 = vector.extract_strided_slice %get3A_123 {offsets = [1, 0, 0], sizes = [1, 64, 1], strides = [1, 1, 1]} : vector<3x64x1xf32> to vector<1x64x1xf32>
    %squeeze3A_128 = vector.shape_cast %slice3A_127 : vector<1x64x1xf32> to vector<64x1xf32>
    %dot_general3A_129 = arith.constant dense<0.000000e+00> : vector<272x1xf32>
    %dot_general3A_130 = tpu.matmul %add3A_102, %squeeze3A_128, %dot_general3A_129 {dimension_numbers = #tpu.dot_dimension_numbers<[1], [0], [0], [1], [0, 0, 1, 1], [], []>, transpose_lhs_hint = false} : vector<272x64xf32>, vector<64x1xf32>, vector<272x1xf32> -> vector<272x1xf32>
    %add3A_131 = arith.addf %dot_general3A_126, %dot_general3A_130 : vector<272x1xf32>
    %slice3A_132 = vector.extract_strided_slice %get3A_123 {offsets = [2, 0, 0], sizes = [1, 64, 1], strides = [1, 1, 1]} : vector<3x64x1xf32> to vector<1x64x1xf32>
    %squeeze3A_133 = vector.shape_cast %slice3A_132 : vector<1x64x1xf32> to vector<64x1xf32>
    %dot_general3A_134 = arith.constant dense<0.000000e+00> : vector<272x1xf32>
    %dot_general3A_135 = tpu.matmul %sub3A_119, %squeeze3A_133, %dot_general3A_134 {dimension_numbers = #tpu.dot_dimension_numbers<[1], [0], [0], [1], [0, 0, 1, 1], [], []>, transpose_lhs_hint = false} : vector<272x64xf32>, vector<64x1xf32>, vector<272x1xf32> -> vector<272x1xf32>
    %add3A_136 = arith.addf %add3A_131, %dot_general3A_135 : vector<272x1xf32>
    %squeeze3A_137 = vector.shape_cast %add3A_136 : vector<272x1xf32> to vector<272xf32>
    %add3A_138 = vector.broadcast %get3A_3 : f32 to vector<272xf32>
    %add3A_139 = arith.addf %squeeze3A_137, %add3A_138 : vector<272xf32>
    %get3A_140 = arith.constant 0 : index
    %get3A_141 = arith.constant 1 : index
    %get3A_142 = arith.constant 0 : index
    %get3A_143 = arith.constant 0 : index
    %get3A_144 = vector.load %arg1[%get3A_140, %get3A_141, %get3A_142, %get3A_143] : memref<1x2x272x272xf32, #tpu.memory_space<vmem>>, vector<1x1x272x272xf32>
    %get3A_145 = vector.shape_cast %get3A_144 : vector<1x1x272x272xf32> to vector<272x272xf32>
    %get3A_146 = arith.constant 0 : index
    %get3A_147 = arith.constant 0 : index
    %get3A_148 = arith.constant 0 : index
    %get3A_149 = vector.load %arg3[%get3A_146, %get3A_147, %get3A_148] : memref<1x268x128xf32, #tpu.memory_space<vmem>>, vector<1x268x128xf32>
    %get3A_150 = vector.shape_cast %get3A_149 : vector<1x268x128xf32> to vector<268x128xf32>
    %broadcast_in_dim3A_151 = arith.constant 0.000000e+00 : f32
    %broadcast_in_dim3A_152 = vector.broadcast %broadcast_in_dim3A_151 : f32 to vector<4x128xf32>
    %concatenate3A_153 = tpu.concatenate %get3A_150, %broadcast_in_dim3A_152 in 0 : vector<268x128xf32>, vector<4x128xf32> -> vector<272x128xf32>
    %reduce_sum3A_154 = arith.constant dense<0.000000e+00> : vector<272xf32>
    %reduce_sum3A_155 = vector.multi_reduction <add>, %get3A_145, %reduce_sum3A_154 [0] : vector<272x272xf32> to vector<272xf32>
    %gt3A_156 = arith.constant 0.000000e+00 : f32
    %gt3A_157 = vector.broadcast %gt3A_156 : f32 to vector<272xf32>
    %gt3A_158 = arith.cmpf ogt, %reduce_sum3A_155, %gt3A_157 : vector<272xf32>
    %gt3A_159 = arith.constant 0.000000e+00 : f32
    %gt3A_160 = vector.broadcast %gt3A_159 : f32 to vector<272xf32>
    %gt3A_161 = arith.cmpf ogt, %reduce_sum3A_155, %gt3A_160 : vector<272xf32>
    %jit3A_162 = arith.constant 1.000000e+00 : f32
    %broadcast_in_dim3A_163 = vector.broadcast %jit3A_162 : f32 to vector<272xf32>
    %select_n3A_164 = arith.select %gt3A_161, %reduce_sum3A_155, %broadcast_in_dim3A_163 : vector<272xi1>, vector<272xf32>
    %rsqrt3A_165 = math.rsqrt %select_n3A_164 : vector<272xf32>
    %jit3A_166 = arith.constant 0.000000e+00 : f32
    %broadcast_in_dim3A_167 = vector.broadcast %jit3A_166 : f32 to vector<272xf32>
    %select_n3A_168 = arith.select %gt3A_158, %rsqrt3A_165, %broadcast_in_dim3A_167 : vector<272xi1>, vector<272xf32>
    %broadcast_in_dim3A_169 = vector.shape_cast %select_n3A_168 : vector<272xf32> to vector<272x1xf32>
    %mul3A_170 = vector.broadcast %broadcast_in_dim3A_169 : vector<272x1xf32> to vector<272x272xf32>
    %mul3A_171 = arith.mulf %mul3A_170, %get3A_145 : vector<272x272xf32>
    %broadcast_in_dim3A_172 = vector.shape_cast %select_n3A_168 : vector<272xf32> to vector<1x272xf32>
    %mul3A_173 = vector.broadcast %broadcast_in_dim3A_172 : vector<1x272xf32> to vector<272x272xf32>
    %mul3A_174 = arith.mulf %mul3A_171, %mul3A_173 : vector<272x272xf32>
    %neg3A_175 = arith.constant 0.000000e+00 : f32
    %neg3A_176 = vector.broadcast %neg3A_175 : f32 to vector<272x272xf32>
    %neg3A_177 = arith.subf %neg3A_176, %mul3A_174 : vector<272x272xf32>
    %convert_element_type3A_178 = arith.truncf %neg3A_177 : vector<272x272xf32> to vector<272x272xbf16>
    %convert_element_type3A_179 = arith.extf %convert_element_type3A_178 : vector<272x272xbf16> to vector<272x272xf32>
    %sub3A_180 = arith.subf %neg3A_177, %convert_element_type3A_179 : vector<272x272xf32>
    %convert_element_type3A_181 = arith.truncf %sub3A_180 : vector<272x272xf32> to vector<272x272xbf16>
    %convert_element_type3A_182 = arith.truncf %concatenate3A_153 : vector<272x128xf32> to vector<272x128xbf16>
    %convert_element_type3A_183 = arith.extf %convert_element_type3A_182 : vector<272x128xbf16> to vector<272x128xf32>
    %sub3A_184 = arith.subf %concatenate3A_153, %convert_element_type3A_183 : vector<272x128xf32>
    %convert_element_type3A_185 = arith.truncf %sub3A_184 : vector<272x128xf32> to vector<272x128xbf16>
    %concatenate3A_186 = tpu.concatenate %convert_element_type3A_182, %convert_element_type3A_185 in 1 : vector<272x128xbf16>, vector<272x128xbf16> -> vector<272x256xbf16>
    %dot_general3A_187 = arith.constant dense<0.000000e+00> : vector<272x256xf32>
    %dot_general3A_188 = tpu.matmul %convert_element_type3A_178, %concatenate3A_186, %dot_general3A_187 {dimension_numbers = #tpu.dot_dimension_numbers<[1], [0], [0], [1], [0, 0, 1, 1], [], []>, transpose_lhs_hint = false} : vector<272x272xbf16>, vector<272x256xbf16>, vector<272x256xf32> -> vector<272x256xf32>
    %slice3A_189 = vector.extract_strided_slice %dot_general3A_188 {offsets = [0, 0], sizes = [272, 128], strides = [1, 1]} : vector<272x256xf32> to vector<272x128xf32>
    %slice3A_190 = vector.extract_strided_slice %dot_general3A_188 {offsets = [0, 128], sizes = [272, 128], strides = [1, 1]} : vector<272x256xf32> to vector<272x128xf32>
    %add3A_191 = arith.addf %slice3A_189, %slice3A_190 : vector<272x128xf32>
    %dot_general3A_192 = arith.constant dense<0.000000e+00> : vector<272x128xf32>
    %dot_general3A_193 = tpu.matmul %convert_element_type3A_181, %convert_element_type3A_182, %dot_general3A_192 {dimension_numbers = #tpu.dot_dimension_numbers<[1], [0], [0], [1], [0, 0, 1, 1], [], []>, transpose_lhs_hint = false} : vector<272x272xbf16>, vector<272x128xbf16>, vector<272x128xf32> -> vector<272x128xf32>
    %add3A_194 = arith.addf %add3A_191, %dot_general3A_193 : vector<272x128xf32>
    %convert_element_type3A_195 = arith.truncf %add3A_194 : vector<272x128xf32> to vector<272x128xbf16>
    %convert_element_type3A_196 = arith.extf %convert_element_type3A_195 : vector<272x128xbf16> to vector<272x128xf32>
    %sub3A_197 = arith.subf %add3A_194, %convert_element_type3A_196 : vector<272x128xf32>
    %convert_element_type3A_198 = arith.truncf %sub3A_197 : vector<272x128xf32> to vector<272x128xbf16>
    %concatenate3A_199 = tpu.concatenate %convert_element_type3A_195, %convert_element_type3A_198 in 1 : vector<272x128xbf16>, vector<272x128xbf16> -> vector<272x256xbf16>
    %dot_general3A_200 = arith.constant dense<0.000000e+00> : vector<272x256xf32>
    %dot_general3A_201 = tpu.matmul %convert_element_type3A_178, %concatenate3A_199, %dot_general3A_200 {dimension_numbers = #tpu.dot_dimension_numbers<[1], [0], [0], [1], [0, 0, 1, 1], [], []>, transpose_lhs_hint = false} : vector<272x272xbf16>, vector<272x256xbf16>, vector<272x256xf32> -> vector<272x256xf32>
    %slice3A_202 = vector.extract_strided_slice %dot_general3A_201 {offsets = [0, 0], sizes = [272, 128], strides = [1, 1]} : vector<272x256xf32> to vector<272x128xf32>
    %slice3A_203 = vector.extract_strided_slice %dot_general3A_201 {offsets = [0, 128], sizes = [272, 128], strides = [1, 1]} : vector<272x256xf32> to vector<272x128xf32>
    %add3A_204 = arith.addf %slice3A_202, %slice3A_203 : vector<272x128xf32>
    %dot_general3A_205 = arith.constant dense<0.000000e+00> : vector<272x128xf32>
    %dot_general3A_206 = tpu.matmul %convert_element_type3A_181, %convert_element_type3A_195, %dot_general3A_205 {dimension_numbers = #tpu.dot_dimension_numbers<[1], [0], [0], [1], [0, 0, 1, 1], [], []>, transpose_lhs_hint = false} : vector<272x272xbf16>, vector<272x128xbf16>, vector<272x128xf32> -> vector<272x128xf32>
    %add3A_207 = arith.addf %add3A_204, %dot_general3A_206 : vector<272x128xf32>
    %mul3A_208 = arith.constant 2.000000e+00 : f32
    %mul3A_209 = vector.broadcast %mul3A_208 : f32 to vector<272x128xf32>
    %mul3A_210 = arith.mulf %mul3A_209, %add3A_207 : vector<272x128xf32>
    %sub3A_211 = arith.subf %mul3A_210, %concatenate3A_153 : vector<272x128xf32>
    %get3A_212 = arith.constant 0 : index
    %get3A_213 = arith.constant 0 : index
    %get3A_214 = arith.constant 0 : index
    %get3A_215 = vector.load %arg4[%get3A_212, %get3A_213, %get3A_214] : memref<3x128x64xf32, #tpu.memory_space<vmem>>, vector<1x128x64xf32>
    %get3A_216 = vector.shape_cast %get3A_215 : vector<1x128x64xf32> to vector<128x64xf32>
    %dot_general3A_217 = arith.constant dense<0.000000e+00> : vector<272x64xf32>
    %dot_general3A_218 = tpu.matmul %concatenate3A_153, %get3A_216, %dot_general3A_217 {dimension_numbers = #tpu.dot_dimension_numbers<[1], [0], [0], [1], [0, 0, 1, 1], [], []>, transpose_lhs_hint = false} : vector<272x128xf32>, vector<128x64xf32>, vector<272x64xf32> -> vector<272x64xf32>
    %get3A_219 = arith.constant 1 : index
    %get3A_220 = arith.constant 0 : index
    %get3A_221 = arith.constant 0 : index
    %get3A_222 = vector.load %arg4[%get3A_219, %get3A_220, %get3A_221] : memref<3x128x64xf32, #tpu.memory_space<vmem>>, vector<1x128x64xf32>
    %get3A_223 = vector.shape_cast %get3A_222 : vector<1x128x64xf32> to vector<128x64xf32>
    %dot_general3A_224 = arith.constant dense<0.000000e+00> : vector<272x64xf32>
    %dot_general3A_225 = tpu.matmul %add3A_194, %get3A_223, %dot_general3A_224 {dimension_numbers = #tpu.dot_dimension_numbers<[1], [0], [0], [1], [0, 0, 1, 1], [], []>, transpose_lhs_hint = false} : vector<272x128xf32>, vector<128x64xf32>, vector<272x64xf32> -> vector<272x64xf32>
    %add3A_226 = arith.addf %dot_general3A_218, %dot_general3A_225 : vector<272x64xf32>
    %get3A_227 = arith.constant 2 : index
    %get3A_228 = arith.constant 0 : index
    %get3A_229 = arith.constant 0 : index
    %get3A_230 = vector.load %arg4[%get3A_227, %get3A_228, %get3A_229] : memref<3x128x64xf32, #tpu.memory_space<vmem>>, vector<1x128x64xf32>
    %get3A_231 = vector.shape_cast %get3A_230 : vector<1x128x64xf32> to vector<128x64xf32>
    %dot_general3A_232 = arith.constant dense<0.000000e+00> : vector<272x64xf32>
    %dot_general3A_233 = tpu.matmul %sub3A_211, %get3A_231, %dot_general3A_232 {dimension_numbers = #tpu.dot_dimension_numbers<[1], [0], [0], [1], [0, 0, 1, 1], [], []>, transpose_lhs_hint = false} : vector<272x128xf32>, vector<128x64xf32>, vector<272x64xf32> -> vector<272x64xf32>
    %add3A_234 = arith.addf %add3A_226, %dot_general3A_233 : vector<272x64xf32>
    %broadcast_in_dim3A_235 = vector.shape_cast %get3A_0 : vector<64xf32> to vector<1x64xf32>
    %add3A_236 = vector.broadcast %broadcast_in_dim3A_235 : vector<1x64xf32> to vector<272x64xf32>
    %add3A_237 = arith.addf %add3A_234, %add3A_236 : vector<272x64xf32>
    %max3A_238 = arith.constant 0.000000e+00 : f32
    %max3A_239 = vector.broadcast %max3A_238 : f32 to vector<272x64xf32>
    %max3A_240 = arith.maximumf %add3A_237, %max3A_239 : vector<272x64xf32>
    %convert_element_type3A_241 = arith.truncf %max3A_240 : vector<272x64xf32> to vector<272x64xbf16>
    %convert_element_type3A_242 = arith.extf %convert_element_type3A_241 : vector<272x64xbf16> to vector<272x64xf32>
    %sub3A_243 = arith.subf %max3A_240, %convert_element_type3A_242 : vector<272x64xf32>
    %convert_element_type3A_244 = arith.truncf %sub3A_243 : vector<272x64xf32> to vector<272x64xbf16>
    %concatenate3A_245 = tpu.concatenate %convert_element_type3A_241, %convert_element_type3A_244 in 1 : vector<272x64xbf16>, vector<272x64xbf16> -> vector<272x128xbf16>
    %dot_general3A_246 = arith.constant dense<0.000000e+00> : vector<272x128xf32>
    %dot_general3A_247 = tpu.matmul %convert_element_type3A_178, %concatenate3A_245, %dot_general3A_246 {dimension_numbers = #tpu.dot_dimension_numbers<[1], [0], [0], [1], [0, 0, 1, 1], [], []>, transpose_lhs_hint = false} : vector<272x272xbf16>, vector<272x128xbf16>, vector<272x128xf32> -> vector<272x128xf32>
    %slice3A_248 = vector.extract_strided_slice %dot_general3A_247 {offsets = [0, 0], sizes = [272, 64], strides = [1, 1]} : vector<272x128xf32> to vector<272x64xf32>
    %slice3A_249 = vector.extract_strided_slice %dot_general3A_247 {offsets = [0, 64], sizes = [272, 64], strides = [1, 1]} : vector<272x128xf32> to vector<272x64xf32>
    %add3A_250 = arith.addf %slice3A_248, %slice3A_249 : vector<272x64xf32>
    %dot_general3A_251 = arith.constant dense<0.000000e+00> : vector<272x64xf32>
    %dot_general3A_252 = tpu.matmul %convert_element_type3A_181, %convert_element_type3A_241, %dot_general3A_251 {dimension_numbers = #tpu.dot_dimension_numbers<[1], [0], [0], [1], [0, 0, 1, 1], [], []>, transpose_lhs_hint = false} : vector<272x272xbf16>, vector<272x64xbf16>, vector<272x64xf32> -> vector<272x64xf32>
    %add3A_253 = arith.addf %add3A_250, %dot_general3A_252 : vector<272x64xf32>
    %convert_element_type3A_254 = arith.truncf %add3A_253 : vector<272x64xf32> to vector<272x64xbf16>
    %convert_element_type3A_255 = arith.extf %convert_element_type3A_254 : vector<272x64xbf16> to vector<272x64xf32>
    %sub3A_256 = arith.subf %add3A_253, %convert_element_type3A_255 : vector<272x64xf32>
    %convert_element_type3A_257 = arith.truncf %sub3A_256 : vector<272x64xf32> to vector<272x64xbf16>
    %concatenate3A_258 = tpu.concatenate %convert_element_type3A_254, %convert_element_type3A_257 in 1 : vector<272x64xbf16>, vector<272x64xbf16> -> vector<272x128xbf16>
    %dot_general3A_259 = arith.constant dense<0.000000e+00> : vector<272x128xf32>
    %dot_general3A_260 = tpu.matmul %convert_element_type3A_178, %concatenate3A_258, %dot_general3A_259 {dimension_numbers = #tpu.dot_dimension_numbers<[1], [0], [0], [1], [0, 0, 1, 1], [], []>, transpose_lhs_hint = false} : vector<272x272xbf16>, vector<272x128xbf16>, vector<272x128xf32> -> vector<272x128xf32>
    %slice3A_261 = vector.extract_strided_slice %dot_general3A_260 {offsets = [0, 0], sizes = [272, 64], strides = [1, 1]} : vector<272x128xf32> to vector<272x64xf32>
    %slice3A_262 = vector.extract_strided_slice %dot_general3A_260 {offsets = [0, 64], sizes = [272, 64], strides = [1, 1]} : vector<272x128xf32> to vector<272x64xf32>
    %add3A_263 = arith.addf %slice3A_261, %slice3A_262 : vector<272x64xf32>
    %dot_general3A_264 = arith.constant dense<0.000000e+00> : vector<272x64xf32>
    %dot_general3A_265 = tpu.matmul %convert_element_type3A_181, %convert_element_type3A_254, %dot_general3A_264 {dimension_numbers = #tpu.dot_dimension_numbers<[1], [0], [0], [1], [0, 0, 1, 1], [], []>, transpose_lhs_hint = false} : vector<272x272xbf16>, vector<272x64xbf16>, vector<272x64xf32> -> vector<272x64xf32>
    %add3A_266 = arith.addf %add3A_263, %dot_general3A_265 : vector<272x64xf32>
    %mul3A_267 = arith.constant 2.000000e+00 : f32
    %mul3A_268 = vector.broadcast %mul3A_267 : f32 to vector<272x64xf32>
    %mul3A_269 = arith.mulf %mul3A_268, %add3A_266 : vector<272x64xf32>
    %sub3A_270 = arith.subf %mul3A_269, %max3A_240 : vector<272x64xf32>
    %get3A_271 = arith.constant 0 : index
    %get3A_272 = arith.constant 0 : index
    %get3A_273 = arith.constant 0 : index
    %get3A_274 = vector.load %arg6[%get3A_271, %get3A_272, %get3A_273] : memref<3x64x1xf32, #tpu.memory_space<vmem>>, vector<3x64x1xf32>
    %slice3A_275 = vector.extract_strided_slice %get3A_274 {offsets = [0, 0, 0], sizes = [1, 64, 1], strides = [1, 1, 1]} : vector<3x64x1xf32> to vector<1x64x1xf32>
    %squeeze3A_276 = vector.shape_cast %slice3A_275 : vector<1x64x1xf32> to vector<64x1xf32>
    %dot_general3A_277 = arith.constant dense<0.000000e+00> : vector<272x1xf32>
    %dot_general3A_278 = tpu.matmul %max3A_240, %squeeze3A_276, %dot_general3A_277 {dimension_numbers = #tpu.dot_dimension_numbers<[1], [0], [0], [1], [0, 0, 1, 1], [], []>, transpose_lhs_hint = false} : vector<272x64xf32>, vector<64x1xf32>, vector<272x1xf32> -> vector<272x1xf32>
    %slice3A_279 = vector.extract_strided_slice %get3A_274 {offsets = [1, 0, 0], sizes = [1, 64, 1], strides = [1, 1, 1]} : vector<3x64x1xf32> to vector<1x64x1xf32>
    %squeeze3A_280 = vector.shape_cast %slice3A_279 : vector<1x64x1xf32> to vector<64x1xf32>
    %dot_general3A_281 = arith.constant dense<0.000000e+00> : vector<272x1xf32>
    %dot_general3A_282 = tpu.matmul %add3A_253, %squeeze3A_280, %dot_general3A_281 {dimension_numbers = #tpu.dot_dimension_numbers<[1], [0], [0], [1], [0, 0, 1, 1], [], []>, transpose_lhs_hint = false} : vector<272x64xf32>, vector<64x1xf32>, vector<272x1xf32> -> vector<272x1xf32>
    %add3A_283 = arith.addf %dot_general3A_278, %dot_general3A_282 : vector<272x1xf32>
    %slice3A_284 = vector.extract_strided_slice %get3A_274 {offsets = [2, 0, 0], sizes = [1, 64, 1], strides = [1, 1, 1]} : vector<3x64x1xf32> to vector<1x64x1xf32>
    %squeeze3A_285 = vector.shape_cast %slice3A_284 : vector<1x64x1xf32> to vector<64x1xf32>
    %dot_general3A_286 = arith.constant dense<0.000000e+00> : vector<272x1xf32>
    %dot_general3A_287 = tpu.matmul %sub3A_270, %squeeze3A_285, %dot_general3A_286 {dimension_numbers = #tpu.dot_dimension_numbers<[1], [0], [0], [1], [0, 0, 1, 1], [], []>, transpose_lhs_hint = false} : vector<272x64xf32>, vector<64x1xf32>, vector<272x1xf32> -> vector<272x1xf32>
    %add3A_288 = arith.addf %add3A_283, %dot_general3A_287 : vector<272x1xf32>
    %squeeze3A_289 = vector.shape_cast %add3A_288 : vector<272x1xf32> to vector<272xf32>
    %add3A_290 = vector.broadcast %get3A_3 : f32 to vector<272xf32>
    %add3A_291 = arith.addf %squeeze3A_289, %add3A_290 : vector<272xf32>
    %sub3A_292 = arith.subf %add3A_139, %add3A_291 : vector<272xf32>
    %add3A_293 = arith.constant 9.99999997E-7 : f32
    %add3A_294 = vector.broadcast %add3A_293 : f32 to vector<272xf32>
    %add3A_295 = arith.addf %sub3A_292, %add3A_294 : vector<272xf32>
    %abs3A = math.absf %add3A_295 : vector<272xf32>
    %broadcast_in_dim3A_296 = vector.shape_cast %abs3A : vector<272xf32> to vector<1x272xf32>
    %get3A_297 = arith.constant 0 : index
    %get3A_298 = arith.constant 0 : index
    %get3A_299 = vector.load %arg8[%get3A_297, %get3A_298] : memref<272x64xf32, #tpu.memory_space<vmem>>, vector<272x64xf32>
    %dot_general3A_300 = arith.constant dense<0.000000e+00> : vector<1x64xf32>
    %dot_general3A_301 = tpu.matmul %broadcast_in_dim3A_296, %get3A_299, %dot_general3A_300 {dimension_numbers = #tpu.dot_dimension_numbers<[1], [0], [0], [1], [0, 0, 1, 1], [], []>, transpose_lhs_hint = false} : vector<1x272xf32>, vector<272x64xf32>, vector<1x64xf32> -> vector<1x64xf32>
    %squeeze3A_302 = vector.shape_cast %dot_general3A_301 : vector<1x64xf32> to vector<64xf32>
    %get3A_303 = arith.constant 0 : index
    %get3A_304 = vector.load %arg9[%get3A_303] : memref<64xf32, #tpu.memory_space<vmem>>, vector<64xf32>
    %add3A_305 = arith.addf %squeeze3A_302, %get3A_304 : vector<64xf32>
    %max3A_306 = arith.constant 0.000000e+00 : f32
    %max3A_307 = vector.broadcast %max3A_306 : f32 to vector<64xf32>
    %max3A_308 = arith.maximumf %add3A_305, %max3A_307 : vector<64xf32>
    %broadcast_in_dim3A_309 = vector.shape_cast %max3A_308 : vector<64xf32> to vector<1x64xf32>
    %get3A_310 = arith.constant 0 : index
    %get3A_311 = arith.constant 0 : index
    %get3A_312 = vector.load %arg10[%get3A_310, %get3A_311] : memref<64x1xf32, #tpu.memory_space<vmem>>, vector<64x1xf32>
    %dot_general3A_313 = arith.constant dense<0.000000e+00> : vector<1x1xf32>
    %dot_general3A_314 = tpu.matmul %broadcast_in_dim3A_309, %get3A_312, %dot_general3A_313 {dimension_numbers = #tpu.dot_dimension_numbers<[1], [0], [0], [1], [0, 0, 1, 1], [], []>, transpose_lhs_hint = false} : vector<1x64xf32>, vector<64x1xf32>, vector<1x1xf32> -> vector<1x1xf32>
    %squeeze3A_315 = vector.extract %dot_general3A_314[0, 0] : f32 from vector<1x1xf32>
    %get3A_316 = arith.constant 0 : index
    %get3A_317 = vector.load %arg11[%get3A_316] : memref<1xf32, #tpu.memory_space<vmem>>, vector<1xf32>
    %get3A_318 = vector.extract %get3A_317[0] : f32 from vector<1xf32>
    %add3A_319 = arith.addf %squeeze3A_315, %get3A_318 : f32
    %broadcast_in_dim3A_320 = vector.broadcast %add3A_319 : f32 to vector<1x1xf32>
    %swap3A = arith.constant 0 : index
    %swap3A_321 = arith.constant 0 : index
    %swap3A_322 = arith.constant 0 : index
    %swap3A_323 = vector.load %arg12[%swap3A, %swap3A_321, %swap3A_322] : memref<1x1x1xf32, #tpu.memory_space<vmem>>, vector<1x1x1xf32>
    %swap3A_324 = vector.shape_cast %swap3A_323 : vector<1x1x1xf32> to vector<1x1xf32>
    %swap3A_325 = vector.shape_cast %broadcast_in_dim3A_320 : vector<1x1xf32> to vector<1x1x1xf32>
    tpu.vector_store %arg12[%swap3A, %swap3A_321, %swap3A_322], %swap3A_325 {strides = array<i32>} : memref<1x1x1xf32, #tpu.memory_space<vmem>>, vector<1x1x1xf32>,
    return
  }
  func.func @transform_0(%arg0: i32) -> (i32, i32, i32, i32) {
    %c0_i32 = arith.constant 0 : i32
    %c0_i32_0 = arith.constant 0 : i32
    %c0_i32_1 = arith.constant 0 : i32
    %c0_i32_2 = arith.constant 0 : i32
    return %arg0, %c0_i32, %c0_i32_0, %c0_i32_1 : i32, i32, i32, i32
  }
  func.func @transform_1(%arg0: i32) -> (i32, i32, i32) {
    %c0_i32 = arith.constant 0 : i32
    %c0_i32_0 = arith.constant 0 : i32
    %c0_i32_1 = arith.constant 0 : i32
    return %arg0, %c0_i32, %c0_i32_0 : i32, i32, i32
  }
  func.func @transform_2(%arg0: i32) -> (i32, i32, i32) {
    %c0_i32 = arith.constant 0 : i32
    %c0_i32_0 = arith.constant 0 : i32
    %c0_i32_1 = arith.constant 0 : i32
    return %arg0, %c0_i32, %c0_i32_0 : i32, i32, i32
  }
  func.func @transform_3(%arg0: i32) -> (i32, i32, i32) {
    %c0_i32 = arith.constant 0 : i32
    %c0_i32_0 = arith.constant 0 : i32
    %c0_i32_1 = arith.constant 0 : i32
    %c0_i32_2 = arith.constant 0 : i32
    return %c0_i32, %c0_i32_0, %c0_i32_1 : i32, i32, i32
  }
  func.func @transform_4(%arg0: i32) -> i32 {
    %c0_i32 = arith.constant 0 : i32
    %c0_i32_0 = arith.constant 0 : i32
    return %c0_i32 : i32
  }
  func.func @transform_5(%arg0: i32) -> (i32, i32, i32) {
    %c0_i32 = arith.constant 0 : i32
    %c0_i32_0 = arith.constant 0 : i32
    %c0_i32_1 = arith.constant 0 : i32
    %c0_i32_2 = arith.constant 0 : i32
    return %c0_i32, %c0_i32_0, %c0_i32_1 : i32, i32, i32
  }
  func.func @transform_6(%arg0: i32) -> i32 {
    %c0_i32 = arith.constant 0 : i32
    %c0_i32_0 = arith.constant 0 : i32
    return %c0_i32 : i32
  }
  func.func @transform_7(%arg0: i32) -> (i32, i32) {
    %c0_i32 = arith.constant 0 : i32
    %c0_i32_0 = arith.constant 0 : i32
    %c0_i32_1 = arith.constant 0 : i32
    return %c0_i32, %c0_i32_0 : i32, i32
  }
  func.func @transform_8(%arg0: i32) -> i32 {
    %c0_i32 = arith.constant 0 : i32
    %c0_i32_0 = arith.constant 0 : i32
    return %c0_i32 : i32
  }
  func.func @transform_9(%arg0: i32) -> (i32, i32) {
    %c0_i32 = arith.constant 0 : i32
    %c0_i32_0 = arith.constant 0 : i32
    %c0_i32_1 = arith.constant 0 : i32
    return %c0_i32, %c0_i32_0 : i32, i32
  }
  func.func @transform_10(%arg0: i32) -> i32 {
    %c0_i32 = arith.constant 0 : i32
    %c0_i32_0 = arith.constant 0 : i32
    return %c0_i32 : i32
  }
  func.func @transform_11(%arg0: i32) -> (i32, i32, i32) {
    %c0_i32 = arith.constant 0 : i32
    %c0_i32_0 = arith.constant 0 : i32
    %c0_i32_1 = arith.constant 0 : i32
    return %arg0, %c0_i32, %c0_i32_0 : i32, i32, i32
  }
}

</mosaic_0001>

<sc_bundles>
// kernel: kernel.4.cloned.1.call-start
scs
__scs_entry_jumppad:
0x0: {  	(pc) =	sbr.rel $0x88, $3  }
0x1: {  	(tag) =	ssettag $0x0;
	lr =	simm.s32 $0x1  }
0x2: {  	[smem:$0x3F93] =	sst lr;
	_ =	strace $0xD0000000  }
0x3: {  	_ = 	snop  }
0x4: {  	_ = 	snop  }
0x5: {  	_ = 	snop  }
0x6: {  	_ = 	snop  }
0x7: {  	_ = 	snop  }
__scs_overlays_trampoline_lowered:
0x8: {  	[smem:$0x3FA2] =	sst s0  }
0x9: {  	[smem:$0x3FA3] =	sst s1  }
0xa: {  	[smem:$0x3FA4] =	sst s2  }
0xb: {  	[smem:$0x3FA5] =	sst s3  }
0xc: {  	[smem:$0x3FA6] =	sst s4  }
0xd: {  	[smem:$0x3FA7] =	sst s5  }
0xe: {  	[smem:$0x3FA8] =	sst s6  }
0xf: {  	[smem:$0x3FA9] =	sst s7  }
0x10: {  	[smem:$0x3FAA] =	sst s8  }
0x11: {  	[smem:$0x3FAB] =	sst s9;
	s0 =	simm.s32 @!p0 $0x0  }
0x12: {  	s1 =	sld [smem:$0x3F91];
	s0 =	simm.s32 @p0 $0x1  }
0x13: {  	[smem:$0x3FAC] =	sst s0;
	s0 =	simm.s32 @!p1 $0x0  }
0x14: {  	s2 =	sld [smem:$0x3F90];
	s0 =	simm.s32 @p1 $0x1  }
0x15: {  	[smem:$0x3FAD] =	sst s0;
	s0 =	simm.s32 @!p2 $0x0  }
0x16: {  	s3 =	sld [smem:$0x3FDB];
	s0 =	simm.s32 @p2 $0x1  }
0x17: {  	s4 =	simm.s32 $0x1BF5;
	[smem:$0x3FAF] =	sst s0  }
0x18: {  	s0 =	sld [smem:$0x3F92];
	_ =	swait.ge [sflag:s4], $0x0  }
0x19: {  	s7 =	sld [smem:$0x3F93]  }
0x1a: {  	s8 =	sadd.s32 $0xFFFFE003, lr  }
0x1b: {  	s9 =	sadd.s32 $0xFFFFFEF7, lr;
	s5 =	simm.s32 $0xFFFFFFFF;
	p2 =	slt.u32 s8, $0xFFFFF086  }
0x1c: {  	p1 =	slt.u32 s9, $0xF7A;
	s5 =	simm.s32 @!p2 $0x0  }
0x1d: {  	s5 =	simm.s32 @p1 $0x1;
	p0 =	seq.s32 s7, s2  }
0x1e: {  	s7 =	smul.u32 @!p0 $0xF7A, s2;
	p2 =	seq.s32 @!p0 s5, $0x0  }
0x1f: {  	s9 =	smul.u32 $0xF7A, s1;
	s8 =	simm.s32 @!p0 $0x1BF5;
	p2 =	por !p2, p0  }
0x20: {  	[sflag:s8] =	ssyncset.s32 @!p0 $0xFFFFF086;
	s6 =	sadd.s32 @!p0 s3, s7;
	s7 =	simm.s32 @!p0 $0x108  }
0x21: {  	s3 =	sadd.s32 s3, s9;
	s6 =	sadd.s32 @!p0 $0x88, s6;
	s7 =	simm.s32 @p2 $0x1082  }
0x22: {  	[simem:s7], [sflag:s8] =	dma.local @!p0 [hbm:s6], $0xF7A  }
0x23: {  	s9 =	sor.u32 $0xD0000000, s2;
	s6 =	simm.s32 $0x108;
	_ =	swait.ge @!p0 [sflag:s8], $0x0  }
0x24: {  	s3 =	sadd.s32 $0x88, s3;
	s6 =	simm.s32 @!p1 $0x1082;
	[sflag:s4] =	ssyncset.s32 $0xFFFFF086  }
0x25: {  	[simem:s6], [sflag:s4] =	dma.local [hbm:s3], $0xF7A  }
0x26: {  	[smem:$0x3F93] =	sst s1;
	(tag) =	ssettag s2;
	_ =	strace s9  }
0x27: {  	s1 =	sld [smem:$0x3FA3]  }
0x28: {  	s2 =	sld [smem:$0x3FA4]  }
0x29: {  	s4 =	sld [smem:$0x3FA6]  }
0x2a: {  	p0 =	seq.s32 s5, $0x0;
	s5 =	sld [smem:$0x3FA7]  }
0x2b: {  	s6 =	sld [smem:$0x3FA8]  }
0x2c: {  	s7 =	sld [smem:$0x3FA9]  }
0x2d: {  	s3 =	simm.s32 $0x108;
	s8 =	sld [smem:$0x3FAA]  }
0x2e: {  	s3 =	simm.s32 @!p0 $0x1082;
	s9 =	sld [smem:$0x3FAB]  }
0x2f: {  	lr =	sadd.s32 s0, s3;
	s0 =	sld [smem:$0x3FA2]  }
0x30: {  	s3 =	sld [smem:$0x3FA5]  }
0x31: {  	[smem:$0x3FAE] =	sst s10  }
0x32: {  	s10 =	sld [smem:$0x3FAC];
	_ =	sdelay $0x3  }
0x33: {  	p0 =	seq.s32 s10, $0x1;
	s10 =	sld [smem:$0x3FAE];
	_ =	sdelay $0x3  }
0x34: {  	[smem:$0x3FAE] =	sst s10  }
0x35: {  	s10 =	sld [smem:$0x3FAD];
	_ =	sdelay $0x3  }
0x36: {  	p1 =	seq.s32 s10, $0x1;
	s10 =	sld [smem:$0x3FAE];
	_ =	sdelay $0x3  }
0x37: {  	[smem:$0x3FAE] =	sst s10  }
0x38: {  	s10 =	sld [smem:$0x3FAF]  }
0x39: {  	_ = 	snop;
	(pc) =	sbr.ind lr, $3  }
0x3a: {  	_ = 	snop  }
0x3b: {  	_ = 	snop  }
0x3c: {  	p2 =	seq.s32 s10, $0x1;
	s10 =	sld [smem:$0x3FAE]  }
0x3d: {  	_ =	shalt  }
0x3e: {  	_ =	shalt  }
0x3f: {  	_ =	shalt  }
0x40: {  	_ =	shalt  }
0x41: {  	_ =	shalt  }
0x42: {  	_ =	shalt  }
0x43: {  	_ =	shalt  }
0x44: {  	_ =	shalt  }
0x45: {  	_ =	shalt  }
0x46: {  	_ =	shalt  }
0x47: {  	_ =	shalt  }
0x48: {  	_ =	shalt  }
0x49: {  	_ =	shalt  }
0x4a: {  	_ =	shalt  }
0x4b: {  	_ =	shalt  }
0x4c: {  	_ =	shalt  }
0x4d: {  	_ =	shalt  }
0x4e: {  	_ =	shalt  }
0x4f: {  	_ =	shalt  }
0x50: {  	_ =	shalt  }
0x51: {  	_ =	shalt  }
0x52: {  	_ =	shalt  }
0x53: {  	_ =	shalt  }
0x54: {  	_ =	shalt  }
0x55: {  	_ =	shalt  }
0x56: {  	_ =	shalt  }
0x57: {  	_ =	shalt  }
0x58: {  	_ =	shalt  }
0x59: {  	_ =	shalt  }
0x5a: {  	_ =	shalt  }
0x5b: {  	_ =	shalt  }
0x5c: {  	_ =	shalt  }
0x5d: {  	_ =	shalt  }
0x5e: {  	_ =	shalt  }
0x5f: {  	_ =	shalt  }
0x60: {  	_ =	shalt  }
0x61: {  	_ =	shalt  }
0x62: {  	_ =	shalt  }
0x63: {  	_ =	shalt  }
0x64: {  	_ =	shalt  }
0x65: {  	_ =	shalt  }
0x66: {  	_ =	shalt  }
0x67: {  	_ =	shalt  }
0x68: {  	_ =	shalt  }
0x69: {  	_ =	shalt  }
0x6a: {  	_ =	shalt  }
0x6b: {  	_ =	shalt  }
0x6c: {  	_ =	shalt  }
0x6d: {  	_ =	shalt  }
0x6e: {  	_ =	shalt  }
0x6f: {  	_ =	shalt  }
0x70: {  	_ =	shalt  }
0x71: {  	_ =	shalt  }
0x72: {  	_ =	shalt  }
0x73: {  	_ =	shalt  }
0x74: {  	_ =	shalt  }
0x75: {  	_ =	shalt  }
0x76: {  	_ =	shalt  }
0x77: {  	_ =	shalt  }
0x78: {  	_ =	shalt  }
0x79: {  	_ =	shalt  }
0x7a: {  	_ =	shalt  }
0x7b: {  	_ =	shalt  }
0x7c: {  	_ =	shalt  }
0x7d: {  	_ =	shalt  }
0x7e: {  	_ =	shalt  }
0x7f: {  	_ =	shalt  }
0x80: {  	_ =	shalt  }
0x81: {  	_ =	shalt  }
0x82: {  	_ =	shalt  }
0x83: {  	_ =	shalt  }
0x84: {  	_ =	shalt  }
0x85: {  	_ =	shalt  }
0x86: {  	_ =	shalt  }
0x87: {  	_ =	shalt  }
.Lfunc_end0:
.L_simem_size_0:
called_computation_lowered:
.L_overlay_start_0:
0x88: {  	s2 =	sld [smem:$0x3FD9]  }
0x89: {  	s3 =	sld [smem:$0x3FFE];
	_ =	sdelay $0x1  }
0x8a: {  	s1 =	srdreg.scid  }
0x8b: {  	s0 =	sand.u32 $0x1, s1  }
0x8c: {  	s17 =	sshll.u32 s0, $0xA;
	s2 =	sadd.s32 s3, s2  }
0x8d: {  	s2 =	sadd.s32 s2, s17  }
0x8e: {  	[smem:$0x3FBA] =	sst s2  }
0x8f: {  	_ = 	snop  }
0x90: {  	s2 =	sld [smem:$0x3FC7]  }
0x91: {  	s18 =	sld [smem:$0x3FC6]  }
0x92: {  	s4 =	sld [smem:$0x3FC5]  }
0x93: {  	s5 =	sld [smem:$0x3FC4];
	(tm) =	ssettm $0x1  }
0x94: {  	s6 =	sld [smem:$0x3FFB];
	_ =	sdelay $0x3  }
0x95: {  	_ =	strace s6  }
0x96: {  	s6 =	sld [smem:$0x3FFC];
	_ =	sdelay $0x3  }
0x97: {  	_ =	strace s6  }
0x98: {  	s6 =	sld [smem:$0x3FFD];
	_ =	sdelay $0x3  }
0x99: {  	_ =	strace s6  }
0x9a: {  	_ =	strace $0x8FFFFFFF  }
0x9b: {  	s19 =	sld [smem:$0x3FDB];
	_ =	sdelay $0x1  }
0x9c: {  	s7 =	simm.s32 $_scs_section_size  }
0x9d: {  	s8 =	simm.s32 $_size__tile_overlayer_lowered;
	s9 =	simm.s32 $_tile_overlayer_lowered  }
0x9e: {  	s22 =	simm.s32 $0x1BFF;
	s21 =	sshll.u32 s9, $0x1;
	s6 =	sadd.s32 s7, s19  }
0x9f: {  	s10 =	simm.s32 $0x0;
	s20 =	sshll.u32 s8, $0x1;
	s8 =	sadd.s32 s21, s6  }
0xa0: {  	[timem:s10], [sflag:s22] =	dma.local [hbm:s8], s20  }
0xa1: {  	_ =	swait.ge [sflag:s22], s20  }
0xa2: {  	s7 =	ssub.s32 $0x0, s20;
	[sflag:s22] =	ssyncset.done $0x0  }
0xa3: {  	[sflag:s22] =	ssyncadd.s32 s7;
	_ =	sdelay $0x1  }
0xa4: {  	s23 =	simm.s32 $0x1B8B  }
0xa5: {  	_ =	swait.ge [sflag:s23], $0x1  }
0xa6: {  	[sflag:s23] =	ssyncset.done $0x0  }
0xa7: {  	s25 =	simm.s32 $0x1B8E;
	s24 =	sld [smem:$0x3FFE];
	[sflag:s23] =	ssyncadd.s32 $0xFFFFFFFF  }
0xa8: {  	s26 =	simm.s32 $execute0_lowered;
	[smem:$0x3FD2] =	sst s25  }
0xa9: {  	s8 =	sshll.u32 s26, $0x1;
	_ =	strace $0x80000046;
	[dreg:$0x1] =	wrdreg $0xFFFFFFFF  }
0xaa: {  	s28 =	simm.s32 $_size_execute0_lowered;
	s6 =	sadd.s32 s6, s8;
	[dreg:$0x0] =	wrdreg $0x0  }
0xab: {  	s8 =	sshll.u32 s28, $0x1;
	[dreg:$0x2] =	wrdreg s6  }
0xac: {  	[dreg:$0x3] =	wrdreg s8  }
0xad: {  	[dreg:$0x4] =	wrdreg $0xC0  }
0xae: {  	_ =	task [dreg:s10], $0x5FFFF  }
0xaf: {  	[dreg:$0x1] =	wrdreg $0xFFFFFFFF  }
0xb0: {  	[dreg:$0x0] =	wrdreg $0x60  }
0xb1: {  	[dreg:$0x2] =	wrdreg s2  }
0xb2: {  	[dreg:$0x3] =	wrdreg s18  }
0xb3: {  	[dreg:$0x4] =	wrdreg s4  }
0xb4: {  	[dreg:$0x5] =	wrdreg s5  }
0xb5: {  	[dreg:$0x6] =	wrdreg s24  }
0xb6: {  	[dreg:$0x7] =	wrdreg $0x9  }
0xb7: {  	_ =	task.clear_ibuf [dreg:s10], $0x8FFFF;
	_ =	strace $0x90000046  }
0xb8: {  	s29 =	simm.s32 $0x9;
	_ =	strace $0x80000048  }
0xb9: {  	_ =	swait.ge [sflag:s29], $0x1  }
0xba: {  	[sflag:s29] =	ssyncadd.s32 $0xFFFFFFFF  }
0xbb: {  	_ =	strace $0x90000048  }
0xbc: {  	_ =	sfence  }
0xbd: {  	s30 =	sld [smem:$0x0];
	_ =	sdelay $0x2  }
0xbe: {  	s31 =	sshll.u32 s1, $0xD;
	s1 =	sshrl.u32 s1, $0x2  }
0xbf: {  	s3 =	sand.u32 $0x4000, s31;
	s1 =	sadd.s32 s1, s30  }
0xc0: {  	s0 =	sor.u32 s3, s0;
	s1 =	sshll.u32 s1, $0x11  }
0xc1: {  	s0 =	sor.u32 s1, s0  }
0xc2: {  	s0 =	sadd.s32 $0x8F2B, s0  }
0xc3: {  	[sflag:s0] =	ssyncadd.remote.s32 $0x1  }
0xc4: {  	_ =	sfence.sel $0xFFFF  }
0xc5: {  	[dreg:$0x0] =	wrdreg $0xFFFFFFFF;
	(pc) =	sbr.abs _section_cstart, $3  }
0xc6: {  	[dreg:$0x1] =	wrdreg $0xFFFFFFFF  }
0xc7: {  	_ =	task.clear_ibuf [dreg:s10], $0x2FFFF;
	_ =	strace $0x9FFFFFFF  }
0xc8: {  	(tm) =	ssettm $0x7FFFFFFF  }
0xc9: {  	_ =	shalt  }
tec
execute0_lowered:
.L_overlay_start_1:
0x0: {  	(tag) =	ssettag $0x1  }
0x1: {  	s4 =	rddreg [dreg:$0x0]  }
0x2: {  	s8 =	rddreg [dreg:$0x1]  }
0x3: {  	s5 =	rddreg [dreg:$0x2]  }
0x4: {  	s9 =	rddreg [dreg:$0x3]  }
0x5: {  	s3 =	rddreg [dreg:$0x4]  }
0x6: {  	s0 =	rddreg [dreg:$0x5];
	s6 =	srdreg.scid  }
0x7: {  	s1 =	stileid.u32;
	s2 =	simm.s32 $0x0;
	s14 =	simm.s32 $0x1  }
0x8: {  	s15 =	simm.s32 $0x2180;
	s16 =	simm.s32 $0x400;
	s17 =	simm.s32 $0x4300  }
0x9: {  	s6 =	sand.u32 $0x1, s6;
	s7 =	sshll.u32 s1, $0x1;
	s11 =	sshrl.u32 s1, $0x2  }
0xa: {  	s18 =	simm.s32 $0x6480;
	s7 =	sor.u32 s6, s7;
	s11 =	smul.u32 $0x10C00, s11  }
0xb: {  	[smem:$0x7FF] =	sst s2;
	s6 =	ssub.s32 $0x2, s6;
	s10 =	smul.u32 $0x4840, s7  }
0xc: {  	s12 =	sshll.u32 s7, $0x7;
	s13 =	sshrl.u32 s6, $0x1;
	s7 =	smul.u32 $0x860, s7  }
0xd: {  	_ =	strace $0x80000047;
	s12 =	sand.u32 $0x380, s12;
	s13 =	ssub.s32 s6, s13  }
0xe: {  	s10 =	sadd.s32 s10, s3;
	s30 =	sor.u32 s11, s12;
	s3 =	sadd.s32 s4, s7  }
0xf: {  	s31 =	sor.u32 $0x10, s7;
	s7 =	sadd.s32 s8, s7;
	s11 =	smax.u32 s13, $0x1  }
0x10: {  	s13 =	simm.s32 $0x100;
	s12 =	sshrl.u32 s30, $0x3;
	s4 =	sadd.s32 s4, s31  }
0x11: {  	s6 =	sadd.s32 $0x1000, s10;
	s8 =	sadd.s32 s8, s31;
	s10 =	sadd.s32 $0x1010, s10  }
0x12: {  	v0 =	vimm.f32 $0.0e+00;
	s5 =	sadd.s32 s5, s12;
	s9 =	sadd.s32 s9, s12;
	s12 =	simm.s32 $0x80  }
.LBB2_1:
0x13: {  	s19 =	simm.s32 $0x0;
	s20 =	simm.s32 $0x200  }
.LBB2_2:
0x14: {  	p0 =	sne.s32 s20, $0x48200;
	[tilespmem:s19+$0x64F0] =	vst v0  }
0x15: {  	[tilespmem:s19+$0x6480] =	vst v0  }
0x16: {  	[tilespmem:s19+$0x6490] =	vst v0  }
.Ltmp0:
0x17: {  	[tilespmem:s19+$0x64A0] =	vst v0;
	(pc) =	sbr.rel @p0 .LBB2_2-.Ltmp0, $4  }
0x18: {  	[tilespmem:s19+$0x64B0] =	vst v0  }
0x19: {  	[tilespmem:s19+$0x64C0] =	vst v0  }
0x1a: {  	[tilespmem:s19+$0x64D0] =	vst v0  }
0x1b: {  	[tilespmem:s19+$0x64E0] =	vst v0;
	s19 =	sshra.s32 s20, $0x2;
	s20 =	sadd.s32 $0x200, s20  }
0x1c: {  	[tilespmem:s19+$0x64F0] =	vst v0  }
0x1d: {  	[tilespmem:s19+$0x6480] =	vst v0  }
0x1e: {  	[tilespmem:s19+$0x6490] =	vst v0  }
0x1f: {  	[tilespmem:s19+$0x64A0] =	vst v0  }
0x20: {  	[tilespmem:s19+$0x64B0] =	vst v0  }
0x21: {  	[tilespmem:s19+$0x64C0] =	vst v0  }
0x22: {  	[tilespmem:s19+$0x64D0] =	vst v0  }
0x23: {  	[tilespmem:s19+$0x64E0] =	vst v0;
	s19 =	simm.s32 $0x0  }
0x24: {  	[tilespmem:s19], [sflag:$0x1] =	stream.strided.gather [hbm4b:s3+s12], $0x2180, s13, s12, $0x38;
	[tilespmem:$0x18580] =	vst v63  }
0x25: {  	_ =	swait.ge [sflag:s14], $0x2180  }
0x26: {  	[sflag:s14] =	ssyncset.done $0x0  }
0x27: {  	[sflag:s14] =	ssyncadd.s32 $0xFFFFDE80  }
0x28: {  	[tilespmem:s15], [sflag:$0x1] =	stream.strided.gather [hbm4b:s4+s12], $0x2180, s13, s12, $0x38;
	[tilespmem:$0x18580] =	vst v63  }
0x29: {  	_ =	swait.ge [sflag:s14], $0x2180  }
0x2a: {  	[sflag:s14] =	ssyncset.done $0x0  }
0x2b: {  	[sflag:s14] =	ssyncadd.s32 $0xFFFFDE80  }
0x2c: {  	[tilespmem:s17], [sflag:$0x1] =	stream.strided.gather [hbm4b:s5+s12], $0x2180, s16, s12, $0x38;
	[tilespmem:$0x18580] =	vst v63  }
0x2d: {  	_ =	swait.ge [sflag:s14], $0x2180  }
0x2e: {  	[sflag:s14] =	ssyncset.done $0x0  }
0x2f: {  	[sflag:s14] =	ssyncadd.s32 $0xFFFFDE80  }
.LBB2_4:
0x30: {  	s20 =	sshra.s32 s19, $0x2  }
0x31: {  	v1 =	vld [tilespmem:s20+$0x2180];
	_ =	sdelay $0x1  }
0x32: {  	v2 =	vld [tilespmem:s20+$0x0];
	_ =	sdelay $0x2  }
0x33: {  	v1 =	vmul.u32 $0x110, v1;
	_ =	sdelay $0x1  }
0x34: {  	v3 =	vld [tilespmem:s20+$0x4300];
	v1 =	vadd.s32 v2, v1;
	_ =	sdelay $0x4  }
0x35: {  	[tilespmem:v1+s18+$0x0] =	vst.idx.add.f32.msk $0xffff, v3  }
0x36: {  	v1 =	vld [tilespmem:s20+$0x2190];
	_ =	sdelay $0x1  }
0x37: {  	v2 =	vld [tilespmem:s20+$0x10];
	_ =	sdelay $0x2  }
0x38: {  	v1 =	vmul.u32 $0x110, v1;
	_ =	sdelay $0x1  }
0x39: {  	v3 =	vld [tilespmem:s20+$0x4310];
	v1 =	vadd.s32 v2, v1;
	_ =	sdelay $0x4  }
0x3a: {  	[tilespmem:v1+s18+$0x0] =	vst.idx.add.f32.msk $0xffff, v3  }
0x3b: {  	v1 =	vld [tilespmem:s20+$0x21A0];
	_ =	sdelay $0x1  }
0x3c: {  	v2 =	vld [tilespmem:s20+$0x20];
	_ =	sdelay $0x2  }
0x3d: {  	v1 =	vmul.u32 $0x110, v1;
	_ =	sdelay $0x1  }
0x3e: {  	v3 =	vld [tilespmem:s20+$0x4320];
	v1 =	vadd.s32 v2, v1;
	_ =	sdelay $0x4  }
0x3f: {  	[tilespmem:v1+s18+$0x0] =	vst.idx.add.f32.msk $0xffff, v3  }
0x40: {  	v1 =	vld [tilespmem:s20+$0x21B0];
	_ =	sdelay $0x1  }
0x41: {  	v2 =	vld [tilespmem:s20+$0x30];
	_ =	sdelay $0x2  }
0x42: {  	v1 =	vmul.u32 $0x110, v1;
	_ =	sdelay $0x1  }
0x43: {  	p0 =	sne.s32 s19, $0x8500;
	v3 =	vld [tilespmem:s20+$0x4330];
	v1 =	vadd.s32 v2, v1  }
.Ltmp1:
0x44: {  	_ = 	snop;
	(pc) =	sbr.rel @p0 .LBB2_4-.Ltmp1, $2  }
0x45: {  	_ =	sdelay $0x2  }
0x46: {  	s19 =	sadd.s32 $0x100, s19;
	[tilespmem:v1+s18+$0x0] =	vst.idx.add.f32.msk $0xffff, v3  }
0x47: {  	[hbm4b:s6+s12] =	stream.strided.scatter [tilespmem:s18], [sflag:$0x1], $0x12100, s13, s12, $0x38;
	[tilespmem:$0x18580] =	vst v63  }
0x48: {  	_ =	swait.ge [sflag:s14], $0x12100  }
0x49: {  	[sflag:s14] =	ssyncset.done $0x0  }
0x4a: {  	s19 =	simm.s32 $0x0;
	s20 =	simm.s32 $0x200;
	[sflag:s14] =	ssyncadd.s32 $0xFFFEDF00  }
.LBB2_6:
0x4b: {  	p0 =	sne.s32 s20, $0x48200;
	[tilespmem:s19+$0x64F0] =	vst v0  }
0x4c: {  	[tilespmem:s19+$0x6480] =	vst v0  }
0x4d: {  	[tilespmem:s19+$0x6490] =	vst v0  }
.Ltmp2:
0x4e: {  	[tilespmem:s19+$0x64A0] =	vst v0;
	(pc) =	sbr.rel @p0 .LBB2_6-.Ltmp2, $4  }
0x4f: {  	[tilespmem:s19+$0x64B0] =	vst v0  }
0x50: {  	[tilespmem:s19+$0x64C0] =	vst v0  }
0x51: {  	[tilespmem:s19+$0x64D0] =	vst v0  }
0x52: {  	[tilespmem:s19+$0x64E0] =	vst v0;
	s19 =	sshra.s32 s20, $0x2;
	s20 =	sadd.s32 $0x200, s20  }
0x53: {  	[tilespmem:s19+$0x64F0] =	vst v0  }
0x54: {  	[tilespmem:s19+$0x6480] =	vst v0  }
0x55: {  	[tilespmem:s19+$0x6490] =	vst v0  }
0x56: {  	[tilespmem:s19+$0x64A0] =	vst v0  }
0x57: {  	[tilespmem:s19+$0x64B0] =	vst v0  }
0x58: {  	[tilespmem:s19+$0x64C0] =	vst v0  }
0x59: {  	[tilespmem:s19+$0x64D0] =	vst v0  }
0x5a: {  	[tilespmem:s19+$0x64E0] =	vst v0;
	s19 =	simm.s32 $0x0  }
0x5b: {  	[tilespmem:s19], [sflag:$0x1] =	stream.strided.gather [hbm4b:s7+s12], $0x2180, s13, s12, $0x38;
	[tilespmem:$0x18580] =	vst v63  }
0x5c: {  	_ =	swait.ge [sflag:s14], $0x2180  }
0x5d: {  	[sflag:s14] =	ssyncset.done $0x0  }
0x5e: {  	[sflag:s14] =	ssyncadd.s32 $0xFFFFDE80  }
0x5f: {  	[tilespmem:s15], [sflag:$0x1] =	stream.strided.gather [hbm4b:s8+s12], $0x2180, s13, s12, $0x38;
	[tilespmem:$0x18580] =	vst v63  }
0x60: {  	_ =	swait.ge [sflag:s14], $0x2180  }
0x61: {  	[sflag:s14] =	ssyncset.done $0x0  }
0x62: {  	[sflag:s14] =	ssyncadd.s32 $0xFFFFDE80  }
0x63: {  	[tilespmem:s17], [sflag:$0x1] =	stream.strided.gather [hbm4b:s9+s12], $0x2180, s16, s12, $0x38;
	[tilespmem:$0x18580] =	vst v63  }
0x64: {  	_ =	swait.ge [sflag:s14], $0x2180  }
0x65: {  	[sflag:s14] =	ssyncset.done $0x0  }
0x66: {  	[sflag:s14] =	ssyncadd.s32 $0xFFFFDE80  }
.LBB2_8:
0x67: {  	s20 =	sshra.s32 s19, $0x2  }
0x68: {  	v1 =	vld [tilespmem:s20+$0x2180];
	_ =	sdelay $0x1  }
0x69: {  	v2 =	vld [tilespmem:s20+$0x0];
	_ =	sdelay $0x2  }
0x6a: {  	v1 =	vmul.u32 $0x110, v1;
	_ =	sdelay $0x1  }
0x6b: {  	v3 =	vld [tilespmem:s20+$0x4300];
	v1 =	vadd.s32 v2, v1;
	_ =	sdelay $0x4  }
0x6c: {  	[tilespmem:v1+s18+$0x0] =	vst.idx.add.f32.msk $0xffff, v3  }
0x6d: {  	v1 =	vld [tilespmem:s20+$0x2190];
	_ =	sdelay $0x1  }
0x6e: {  	v2 =	vld [tilespmem:s20+$0x10];
	_ =	sdelay $0x2  }
0x6f: {  	v1 =	vmul.u32 $0x110, v1;
	_ =	sdelay $0x1  }
0x70: {  	v3 =	vld [tilespmem:s20+$0x4310];
	v1 =	vadd.s32 v2, v1;
	_ =	sdelay $0x4  }
0x71: {  	[tilespmem:v1+s18+$0x0] =	vst.idx.add.f32.msk $0xffff, v3  }
0x72: {  	v1 =	vld [tilespmem:s20+$0x21A0];
	_ =	sdelay $0x1  }
0x73: {  	v2 =	vld [tilespmem:s20+$0x20];
	_ =	sdelay $0x2  }
0x74: {  	v1 =	vmul.u32 $0x110, v1;
	_ =	sdelay $0x1  }
0x75: {  	v3 =	vld [tilespmem:s20+$0x4320];
	v1 =	vadd.s32 v2, v1;
	_ =	sdelay $0x4  }
0x76: {  	[tilespmem:v1+s18+$0x0] =	vst.idx.add.f32.msk $0xffff, v3  }
0x77: {  	v1 =	vld [tilespmem:s20+$0x21B0];
	_ =	sdelay $0x1  }
0x78: {  	v2 =	vld [tilespmem:s20+$0x30];
	_ =	sdelay $0x2  }
0x79: {  	v1 =	vmul.u32 $0x110, v1;
	_ =	sdelay $0x1  }
0x7a: {  	p0 =	sne.s32 s19, $0x8500;
	v3 =	vld [tilespmem:s20+$0x4330];
	v1 =	vadd.s32 v2, v1  }
.Ltmp3:
0x7b: {  	_ = 	snop;
	(pc) =	sbr.rel @p0 .LBB2_8-.Ltmp3, $2  }
0x7c: {  	_ =	sdelay $0x2  }
0x7d: {  	s19 =	sadd.s32 $0x100, s19;
	[tilespmem:v1+s18+$0x0] =	vst.idx.add.f32.msk $0xffff, v3  }
0x7e: {  	s2 =	sadd.s32 $0x1, s2  }
0x7f: {  	p0 =	sne.s32 s2, s11  }
.Ltmp4:
0x80: {  	_ = 	snop;
	(pc) =	sbr.rel @p0 .LBB2_1-.Ltmp4, $4  }
0x81: {  	[hbm4b:s10+s12] =	stream.strided.scatter [tilespmem:s18], [sflag:$0x1], $0x12100, s13, s12, $0x38;
	[tilespmem:$0x18580] =	vst v63  }
0x82: {  	_ =	swait.ge [sflag:s14], $0x12100  }
0x83: {  	[sflag:s14] =	ssyncset.done $0x0  }
0x84: {  	[sflag:s14] =	ssyncadd.s32 $0xFFFEDF00  }
0x85: {  	_ =	sfence.sel $0x180000  }
0x86: {  	[bflag:$0x0] =	sbarrier.arrive $0xFFFF  }
0x87: {  	p0 =	sne.s32 s1, $0x0;
	_ =	strace $0x90000047  }
0x88: {  	s0 =	sadd.s32 @!p0 $0x100000, s0;
	[bflag:$0x2] =	sbarrier.arrive $0xFFFF  }
0x89: {  	[sflag:s0] =	ssyncadd.tile.s32 @!p0 $0x1;
	_ =	shalt  }
.Lfunc_end2:
_tile_overlayer_lowered:
.L_overlay_start_2:
0x8a: {  	(tag) =	ssettag $0x2  }
0x8b: {  	s0 =	rddreg [dreg:$0x0];
	s2 =	stileid.u32  }
0x8c: {  	s1 =	rddreg [dreg:$0x1];
	p0 =	sne.s32 s2, $0x0  }
0x8d: {  	s3 =	rddreg [dreg:$0x2];
	[bflag:$0x3] =	sbarrier.arrive $0xFFFF;
	s2 =	simm.s32 @!p0 $0x1C01  }
0x8e: {  	[timem:s3], [sflag:s2] =	dma.local @!p0 [hbm:s0], s1  }
0x8f: {  	s0 =	simm.s32 @!p0 $0x1  }
0x90: {  	_ =	swait.ge @!p0 [sflag:s0], s1  }
0x91: {  	s1 =	ssub.s32 @!p0 $0x0, s1;
	[sflag:s0] =	ssyncset.done @!p0 $0x0  }
0x92: {  	[sflag:s0] =	ssyncadd.s32 @!p0 s1  }
0x93: {  	[bflag:$0x3] =	sbarrier.arrive $0xFFFF  }
0x94: {  	_ =	shalt  }

</sc_bundles>
